<compile_context>
chip_gen: v7x
topology: tpu7x:2x2x1
jax: 0.10.2.dev20260603
libtpu: 0.0.44.dev20260713+nightly
codegen_flags: <defaults>
</compile_context>

<pallas_src>
import jax
import jax.numpy as jnp
from jax import lax
from jax.experimental import pallas as pl
from jax.experimental.pallas import tpu as pltpu
from jax.experimental.pallas import tpu_sc as plsc

B, H, S, D = 8, 16, 4096, 128
Q = 16
BH = B * H

NC, NS = 2, 16
NW = NC * NS
BH_PER_W = BH // NW

MBH = 64
SC_ROW0 = MBH * S
ROWS_PER_W = (BH - MBH) * S // NW

NBUF = 2
CH = 256
NCHUNK = ROWS_PER_W // CH


def _tc_k_body(pos_ref, kval_ref, kc_ref, ko_ref):
    ko_ref[...] = kc_ref[...]
    for q in range(Q):
        p = pos_ref[q]
        m = q
        for r in range(q + 1, Q):
            m = jnp.where(pos_ref[r] == p, r, m)
        ko_ref[0, pl.ds(p, 1), :] = kval_ref[0, pl.ds(m, 1), :]


def _tc_k(pos, kv, kc):
    cache_spec = pl.BlockSpec((1, S, D), lambda i: (i, 0, 0))
    val_spec = pl.BlockSpec((1, Q, D), lambda i: (i, 0, 0))
    return pl.pallas_call(
        _tc_k_body,
        grid=(BH,),
        in_specs=[pl.BlockSpec(memory_space=pltpu.SMEM), val_spec, cache_spec],
        out_specs=cache_spec,
        out_shape=jax.ShapeDtypeStruct((BH, S, D), jnp.float32),
        compiler_params=pltpu.CompilerParams(
            dimension_semantics=("arbitrary",),
        ),
    )(pos, kv, kc)


def _tc_v_prefix_body(vc_ref, vo_ref):
    vo_ref[...] = vc_ref[...]


def _tc_v_prefix(vc):
    cache_spec = pl.BlockSpec((1, S, D), lambda i: (i, 0, 0))
    return pl.pallas_call(
        _tc_v_prefix_body,
        grid=(MBH,),
        in_specs=[cache_spec],
        out_specs=cache_spec,
        out_shape=jax.ShapeDtypeStruct((BH, S, D), jnp.float32),
        compiler_params=pltpu.CompilerParams(
            dimension_semantics=("arbitrary",),
        ),
    )(vc)


def _sc_v_body(pos_hbm, vval_hbm, vc_hbm, vo_ref,
               pos_v, src_v, dst_v, vrows,
               b0, b1, si0, si1, so0, so1, sem):
    wid = lax.axis_index("s") * NC + lax.axis_index("c")
    row0 = SC_ROW0 + wid * ROWS_PER_W
    bufs = (b0, b1)
    sin = (si0, si1)
    sout = (so0, so1)

    for b in range(NBUF):
        pltpu.async_copy(vc_hbm.at[pl.ds(row0 + b * CH, CH)], bufs[b], sin[b])

    @pl.loop(0, NCHUNK, step=NBUF)
    def _(g):
        for b in range(NBUF):
            c = g + b
            pltpu.make_async_copy(vc_hbm.at[pl.ds(row0 + c * CH, CH)],
                                  bufs[b], sin[b]).wait()
            pltpu.async_copy(bufs[b], vo_ref.at[pl.ds(row0 + c * CH, CH)],
                             sout[b])
        for b in range(NBUF):
            c = g + b
            pltpu.make_async_copy(bufs[b],
                                  vo_ref.at[pl.ds(row0 + c * CH, CH)],
                                  sout[b]).wait()

            @pl.when(c + NBUF < NCHUNK)
            def _():
                pltpu.async_copy(vc_hbm.at[pl.ds(row0 + (c + NBUF) * CH, CH)],
                                 bufs[b], sin[b])

    pltpu.sync_copy(pos_hbm, pos_v)
    pos = pos_v[...]
    iota = lax.iota(jnp.int32, 16)
    m = iota
    for r in range(1, Q):
        pos_r = jnp.take_along_axis(pos, jnp.full((Q,), r, jnp.int32), axis=0)
        m = jnp.where(pos == pos_r, r, m)

    tc_share = MBH // NW
    sc_share = (BH - MBH) // NW
    bhs = ([tc_share * wid + j for j in range(tc_share)]
           + [MBH + sc_share * wid + j for j in range(sc_share)])
    for j, bh in enumerate(bhs):
        src_v[pl.ds(j * Q, Q)] = bh * Q + m
        dst_v[pl.ds(j * Q, Q)] = bh * S + pos

    pltpu.async_copy(vval_hbm.at[src_v], vrows, sem).wait()
    pltpu.async_copy(vrows, vo_ref.at[dst_v], sem).wait()


_sc_v = pl.kernel(
    _sc_v_body,
    out_type=(),
    mesh=plsc.VectorSubcoreMesh(core_axis_name="c", subcore_axis_name="s"),
    scratch_types=(
        [
            pltpu.VMEM((Q,), jnp.int32),
            pltpu.VMEM((BH_PER_W * Q,), jnp.int32),
            pltpu.VMEM((BH_PER_W * Q,), jnp.int32),
            pltpu.VMEM((BH_PER_W * Q, D), jnp.float32),
        ]
        + [pltpu.VMEM((CH, D), jnp.float32) for _ in range(NBUF)]
        + [pltpu.SemaphoreType.DMA for _ in range(2 * NBUF + 1)]
    ),
)


def kernel(input_pos, k_val, v_val, k_cache, v_cache):
    vo1 = _tc_v_prefix(v_cache.reshape(BH, S, D))
    vo_ref = jax.new_ref(vo1.reshape(BH * S, D))
    _sc_v(input_pos, v_val.reshape(BH * Q, D), v_cache.reshape(BH * S, D),
          vo_ref)
    ko = _tc_k(input_pos, k_val.reshape(BH, Q, D), k_cache.reshape(BH, S, D))
    return ko.reshape(B, H, S, D), vo_ref[...].reshape(B, H, S, D)

# --- scband reference (transcript-rebuilt; emitter-appended) ---
"""Pipeline reference for scband-kvcache-12043088298099 (READ-ONLY COPY).

The authoritative reference and input builder live on the scoring server;
editing this copy changes nothing except your own understanding.
"""

import jax, jax.numpy as jnp
import numpy as np

B, H, S, D = 8, 16, 4096, 128
Q = 16

def setup_inputs(seed: int = 0) -> dict:
    key = jax.random.key(seed)
    k1, k2, k3 = jax.random.split(key, 3)
    input_pos = jnp.sort(jax.random.randint(k1, (Q,), 0, S))
    k_val = jax.random.normal(k2, (B, H, Q, D), dtype=jnp.float32)
    v_val = jax.random.normal(k3, (B, H, Q, D), dtype=jnp.float32)
    k_cache = jnp.zeros((B, H, S, D), dtype=jnp.float32)
    v_cache = jnp.zeros((B, H, S, D), dtype=jnp.float32)
    return {"input_pos": input_pos, "k_val": k_val, "v_val": v_val,
            "k_cache": k_cache, "v_cache": v_cache}

def reference(input_pos, k_val, v_val, k_cache, v_cache):
    # KVCache.update, non-rolling branch (input_pos has Q > 1 elements):
    # k_cache[:, :, input_pos] = k_val ; v_cache[:, :, input_pos] = v_val
    k_out = k_cache.at[:, :, input_pos, :].set(k_val)
    v_out = v_cache.at[:, :, input_pos, :].set(v_val)
    return (k_out, v_out)

if __name__ == "__main__":
    import jax
    _d = setup_inputs()
    print(jax.jit(kernel)(*tuple(_d.values())))

</pallas_src>

<mosaic_0001>
#map = affine_map<(d0, d1) -> (0)>
#map1 = affine_map<(d0, d1) -> (0, 0)>
module attributes {stable_mosaic.version = 14 : i64} {
  func.func @new_body(%arg0: i32, %arg1: i32, %arg2: memref<16xi32, #tpu.memory_space<hbm>>, %arg3: memref<2048x128xf32, #tpu.memory_space<hbm>>, %arg4: memref<524288x128xf32, #tpu.memory_space<hbm>>, %arg5: memref<524288x128xf32, #tpu.memory_space<hbm>>, %arg6: memref<524288x128xf32, #tpu.memory_space<hbm>>, %arg7: memref<16xi32, #tpu.memory_space<vmem>>, %arg8: memref<64xi32, #tpu.memory_space<vmem>>, %arg9: memref<64xi32, #tpu.memory_space<vmem>>, %arg10: memref<64x128xf32, #tpu.memory_space<vmem>>, %arg11: memref<256x128xf32, #tpu.memory_space<vmem>>, %arg12: memref<256x128xf32, #tpu.memory_space<vmem>>, %arg13: memref<!tpu.dma_semaphore, #tpu.memory_space<semaphore_mem>>, %arg14: memref<!tpu.dma_semaphore, #tpu.memory_space<semaphore_mem>>, %arg15: memref<!tpu.dma_semaphore, #tpu.memory_space<semaphore_mem>>, %arg16: memref<!tpu.dma_semaphore, #tpu.memory_space<semaphore_mem>>, %arg17: memref<!tpu.dma_semaphore, #tpu.memory_space<semaphore_mem>>) attributes {dimension_semantics = [#tpu.dimension_semantics<core_parallel>, #tpu.dimension_semantics<subcore_parallel>], iteration_bounds = array<i64: 2, 16>, scalar_prefetch = 0 : i64, scratch_operands = 11 : i64, tpu.core_type = #tpu.core_type<sc_vector_subcore>, window_params = [{transform_indices = #map}, {transform_indices = #map1}, {transform_indices = #map1}, {transform_indices = #map1}, {transform_indices = #map1}]} {
    %mul3A = arith.constant 2 : i32
    %mul3A_0 = arith.muli %arg1, %mul3A : i32
    %add3A = arith.addi %mul3A_0, %arg0 : i32
    %mul3A_1 = arith.constant 8192 : i32
    %mul3A_2 = arith.muli %add3A, %mul3A_1 : i32
    %add3A_3 = arith.constant 262144 : i32
    %add3A_4 = arith.addi %add3A_3, %mul3A_2 : i32
    %add3A_5 = arith.constant 0 : i32
    %add3A_6 = arith.addi %add3A_4, %add3A_5 : i32
    %dma_start3A = arith.constant 0 : i32
    %dma_start3A_7 = tpu.memref_slice %arg4[%add3A_6, %dma_start3A] : memref<524288x128xf32, #tpu.memory_space<hbm>> -> memref<256x128xf32, #tpu.memory_space<hbm>>
    %dma_start3A_8 = arith.constant 0 : i32
    %dma_start3A_9 = tpu.memref_slice %arg4[%add3A_6, %dma_start3A_8] : memref<524288x128xf32, #tpu.memory_space<hbm>> -> memref<256x128xf32, #tpu.memory_space<hbm>>
    tpu.enqueue_dma source(%dma_start3A_9 : memref<256x128xf32, #tpu.memory_space<hbm>>) target(%arg11 : memref<256x128xf32, #tpu.memory_space<vmem>>) target_semaphore(%arg13 : memref<!tpu.dma_semaphore, #tpu.memory_space<semaphore_mem>>)
    %add3A_10 = arith.constant 256 : i32
    %add3A_11 = arith.addi %add3A_4, %add3A_10 : i32
    %dma_start3A_12 = arith.constant 0 : i32
    %dma_start3A_13 = tpu.memref_slice %arg4[%add3A_11, %dma_start3A_12] : memref<524288x128xf32, #tpu.memory_space<hbm>> -> memref<256x128xf32, #tpu.memory_space<hbm>>
    %dma_start3A_14 = arith.constant 0 : i32
    %dma_start3A_15 = tpu.memref_slice %arg4[%add3A_11, %dma_start3A_14] : memref<524288x128xf32, #tpu.memory_space<hbm>> -> memref<256x128xf32, #tpu.memory_space<hbm>>
    tpu.enqueue_dma source(%dma_start3A_15 : memref<256x128xf32, #tpu.memory_space<hbm>>) target(%arg12 : memref<256x128xf32, #tpu.memory_space<vmem>>) target_semaphore(%arg14 : memref<!tpu.dma_semaphore, #tpu.memory_space<semaphore_mem>>)
    %scan3A = arith.constant 0 : i32
    %scan3A_16 = arith.constant 16 : i32
    %scan3A_17 = arith.addi %scan3A, %scan3A_16 : i32
    %scan3A_18 = arith.constant 1 : i32
    scf.for %scan3A_349 = %scan3A to %scan3A_17 step %scan3A_18  : i32 {
      %mul3A_350 = arith.constant 2 : i32
      %mul3A_351 = arith.muli %scan3A_349, %mul3A_350 : i32
      %add3A_352 = arith.constant 0 : i32
      %add3A_353 = arith.addi %add3A_352, %mul3A_351 : i32
      %add3A_354 = arith.constant 0 : i32
      %add3A_355 = arith.addi %add3A_353, %add3A_354 : i32
      %mul3A_356 = arith.constant 256 : i32
      %mul3A_357 = arith.muli %add3A_355, %mul3A_356 : i32
      %add3A_358 = arith.addi %add3A_4, %mul3A_357 : i32
      %dma_wait3A_359 = arith.constant 0 : i32
      %dma_wait3A_360 = tpu.memref_slice %arg4[%add3A_358, %dma_wait3A_359] : memref<524288x128xf32, #tpu.memory_space<hbm>> -> memref<256x128xf32, #tpu.memory_space<hbm>>
      %dma_wait3A_361 = arith.constant 0 : i32
      %dma_wait3A_362 = tpu.memref_slice %arg4[%add3A_358, %dma_wait3A_361] : memref<524288x128xf32, #tpu.memory_space<hbm>> -> memref<256x128xf32, #tpu.memory_space<hbm>>
      tpu.wait_dma2 semaphore(%arg13 : memref<!tpu.dma_semaphore, #tpu.memory_space<semaphore_mem>>) src(%dma_wait3A_362 : memref<256x128xf32, #tpu.memory_space<hbm>>) dst(%arg11 : memref<256x128xf32, #tpu.memory_space<vmem>>)
      %mul3A_363 = arith.constant 256 : i32
      %mul3A_364 = arith.muli %add3A_355, %mul3A_363 : i32
      %add3A_365 = arith.addi %add3A_4, %mul3A_364 : i32
      %dma_start3A_366 = arith.constant 0 : i32
      %dma_start3A_367 = tpu.memref_slice %arg5[%add3A_365, %dma_start3A_366] : memref<524288x128xf32, #tpu.memory_space<hbm>> -> memref<256x128xf32, #tpu.memory_space<hbm>>
      %dma_start3A_368 = arith.constant 0 : i32
      %dma_start3A_369 = tpu.memref_slice %arg5[%add3A_365, %dma_start3A_368] : memref<524288x128xf32, #tpu.memory_space<hbm>> -> memref<256x128xf32, #tpu.memory_space<hbm>>
      tpu.enqueue_dma source(%arg11 : memref<256x128xf32, #tpu.memory_space<vmem>>) target(%dma_start3A_369 : memref<256x128xf32, #tpu.memory_space<hbm>>) target_semaphore(%arg15 : memref<!tpu.dma_semaphore, #tpu.memory_space<semaphore_mem>>)
      %add3A_370 = arith.constant 1 : i32
      %add3A_371 = arith.addi %add3A_353, %add3A_370 : i32
      %mul3A_372 = arith.constant 256 : i32
      %mul3A_373 = arith.muli %add3A_371, %mul3A_372 : i32
      %add3A_374 = arith.addi %add3A_4, %mul3A_373 : i32
      %dma_wait3A_375 = arith.constant 0 : i32
      %dma_wait3A_376 = tpu.memref_slice %arg4[%add3A_374, %dma_wait3A_375] : memref<524288x128xf32, #tpu.memory_space<hbm>> -> memref<256x128xf32, #tpu.memory_space<hbm>>
      %dma_wait3A_377 = arith.constant 0 : i32
      %dma_wait3A_378 = tpu.memref_slice %arg4[%add3A_374, %dma_wait3A_377] : memref<524288x128xf32, #tpu.memory_space<hbm>> -> memref<256x128xf32, #tpu.memory_space<hbm>>
      tpu.wait_dma2 semaphore(%arg14 : memref<!tpu.dma_semaphore, #tpu.memory_space<semaphore_mem>>) src(%dma_wait3A_378 : memref<256x128xf32, #tpu.memory_space<hbm>>) dst(%arg12 : memref<256x128xf32, #tpu.memory_space<vmem>>)
      %mul3A_379 = arith.constant 256 : i32
      %mul3A_380 = arith.muli %add3A_371, %mul3A_379 : i32
      %add3A_381 = arith.addi %add3A_4, %mul3A_380 : i32
      %dma_start3A_382 = arith.constant 0 : i32
      %dma_start3A_383 = tpu.memref_slice %arg5[%add3A_381, %dma_start3A_382] : memref<524288x128xf32, #tpu.memory_space<hbm>> -> memref<256x128xf32, #tpu.memory_space<hbm>>
      %dma_start3A_384 = arith.constant 0 : i32
      %dma_start3A_385 = tpu.memref_slice %arg5[%add3A_381, %dma_start3A_384] : memref<524288x128xf32, #tpu.memory_space<hbm>> -> memref<256x128xf32, #tpu.memory_space<hbm>>
      tpu.enqueue_dma source(%arg12 : memref<256x128xf32, #tpu.memory_space<vmem>>) target(%dma_start3A_385 : memref<256x128xf32, #tpu.memory_space<hbm>>) target_semaphore(%arg16 : memref<!tpu.dma_semaphore, #tpu.memory_space<semaphore_mem>>)
      %add3A_386 = arith.constant 0 : i32
      %add3A_387 = arith.addi %add3A_353, %add3A_386 : i32
      %mul3A_388 = arith.constant 256 : i32
      %mul3A_389 = arith.muli %add3A_387, %mul3A_388 : i32
      %add3A_390 = arith.addi %add3A_4, %mul3A_389 : i32
      %dma_wait3A_391 = arith.constant 0 : i32
      %dma_wait3A_392 = tpu.memref_slice %arg5[%add3A_390, %dma_wait3A_391] : memref<524288x128xf32, #tpu.memory_space<hbm>> -> memref<256x128xf32, #tpu.memory_space<hbm>>
      %dma_wait3A_393 = arith.constant 0 : i32
      %dma_wait3A_394 = tpu.memref_slice %arg5[%add3A_390, %dma_wait3A_393] : memref<524288x128xf32, #tpu.memory_space<hbm>> -> memref<256x128xf32, #tpu.memory_space<hbm>>
      tpu.wait_dma2 semaphore(%arg15 : memref<!tpu.dma_semaphore, #tpu.memory_space<semaphore_mem>>) src(%arg11 : memref<256x128xf32, #tpu.memory_space<vmem>>) dst(%dma_wait3A_394 : memref<256x128xf32, #tpu.memory_space<hbm>>)
      %add3A_395 = arith.constant 2 : i32
      %add3A_396 = arith.addi %add3A_387, %add3A_395 : i32
      %lt3A_397 = arith.constant 32 : i32
      %lt3A_398 = arith.cmpi slt, %add3A_396, %lt3A_397 : i32
      %convert_element_type3A = arith.extui %lt3A_398 : i1 to i32
      %cond3A = arith.constant 0 : i32
      %cond3A_399 = arith.cmpi ne, %convert_element_type3A, %cond3A : i32
      scf.if %cond3A_399 {
        %add3A_416 = arith.constant 2 : i32
        %add3A_417 = arith.addi %add3A_387, %add3A_416 : i32
        %mul3A_418 = arith.constant 256 : i32
        %mul3A_419 = arith.muli %add3A_417, %mul3A_418 : i32
        %add3A_420 = arith.addi %add3A_4, %mul3A_419 : i32
        %dma_start3A_421 = arith.constant 0 : i32
        %dma_start3A_422 = tpu.memref_slice %arg4[%add3A_420, %dma_start3A_421] : memref<524288x128xf32, #tpu.memory_space<hbm>> -> memref<256x128xf32, #tpu.memory_space<hbm>>
        %dma_start3A_423 = arith.constant 0 : i32
        %dma_start3A_424 = tpu.memref_slice %arg4[%add3A_420, %dma_start3A_423] : memref<524288x128xf32, #tpu.memory_space<hbm>> -> memref<256x128xf32, #tpu.memory_space<hbm>>
        tpu.enqueue_dma source(%dma_start3A_424 : memref<256x128xf32, #tpu.memory_space<hbm>>) target(%arg11 : memref<256x128xf32, #tpu.memory_space<vmem>>) target_semaphore(%arg13 : memref<!tpu.dma_semaphore, #tpu.memory_space<semaphore_mem>>)
      } else {
      }
      %add3A_400 = arith.constant 1 : i32
      %add3A_401 = arith.addi %add3A_353, %add3A_400 : i32
      %mul3A_402 = arith.constant 256 : i32
      %mul3A_403 = arith.muli %add3A_401, %mul3A_402 : i32
      %add3A_404 = arith.addi %add3A_4, %mul3A_403 : i32
      %dma_wait3A_405 = arith.constant 0 : i32
      %dma_wait3A_406 = tpu.memref_slice %arg5[%add3A_404, %dma_wait3A_405] : memref<524288x128xf32, #tpu.memory_space<hbm>> -> memref<256x128xf32, #tpu.memory_space<hbm>>
      %dma_wait3A_407 = arith.constant 0 : i32
      %dma_wait3A_408 = tpu.memref_slice %arg5[%add3A_404, %dma_wait3A_407] : memref<524288x128xf32, #tpu.memory_space<hbm>> -> memref<256x128xf32, #tpu.memory_space<hbm>>
      tpu.wait_dma2 semaphore(%arg16 : memref<!tpu.dma_semaphore, #tpu.memory_space<semaphore_mem>>) src(%arg12 : memref<256x128xf32, #tpu.memory_space<vmem>>) dst(%dma_wait3A_408 : memref<256x128xf32, #tpu.memory_space<hbm>>)
      %add3A_409 = arith.constant 2 : i32
      %add3A_410 = arith.addi %add3A_401, %add3A_409 : i32
      %lt3A_411 = arith.constant 32 : i32
      %lt3A_412 = arith.cmpi slt, %add3A_410, %lt3A_411 : i32
      %convert_element_type3A_413 = arith.extui %lt3A_412 : i1 to i32
      %cond3A_414 = arith.constant 0 : i32
      %cond3A_415 = arith.cmpi ne, %convert_element_type3A_413, %cond3A_414 : i32
      scf.if %cond3A_415 {
        %add3A_416 = arith.constant 2 : i32
        %add3A_417 = arith.addi %add3A_401, %add3A_416 : i32
        %mul3A_418 = arith.constant 256 : i32
        %mul3A_419 = arith.muli %add3A_417, %mul3A_418 : i32
        %add3A_420 = arith.addi %add3A_4, %mul3A_419 : i32
        %dma_start3A_421 = arith.constant 0 : i32
        %dma_start3A_422 = tpu.memref_slice %arg4[%add3A_420, %dma_start3A_421] : memref<524288x128xf32, #tpu.memory_space<hbm>> -> memref<256x128xf32, #tpu.memory_space<hbm>>
        %dma_start3A_423 = arith.constant 0 : i32
        %dma_start3A_424 = tpu.memref_slice %arg4[%add3A_420, %dma_start3A_423] : memref<524288x128xf32, #tpu.memory_space<hbm>> -> memref<256x128xf32, #tpu.memory_space<hbm>>
        tpu.enqueue_dma source(%dma_start3A_424 : memref<256x128xf32, #tpu.memory_space<hbm>>) target(%arg12 : memref<256x128xf32, #tpu.memory_space<vmem>>) target_semaphore(%arg14 : memref<!tpu.dma_semaphore, #tpu.memory_space<semaphore_mem>>)
      } else {
      }
    }
    %scan3A_19 = arith.constant 16 : i32
    "tpu.region"() ({
      %run_scoped3A = tpu.sem_alloc : memref<!tpu.dma_semaphore, #tpu.memory_space<semaphore_mem>>
      tpu.enqueue_dma source(%arg2 : memref<16xi32, #tpu.memory_space<hbm>>) target(%arg7 : memref<16xi32, #tpu.memory_space<vmem>>) target_semaphore(%run_scoped3A : memref<!tpu.dma_semaphore, #tpu.memory_space<semaphore_mem>>)
      tpu.wait_dma2 semaphore(%run_scoped3A : memref<!tpu.dma_semaphore, #tpu.memory_space<semaphore_mem>>) src(%arg2 : memref<16xi32, #tpu.memory_space<hbm>>) dst(%arg7 : memref<16xi32, #tpu.memory_space<vmem>>)
      tpu.yield
    }) : () -> ()
    %get3A = arith.constant 0 : index
    %get3A_20 = tpu.vector_load %arg7[%get3A] {strides = array<i32>} : memref<16xi32, #tpu.memory_space<vmem>>, vector<16xi32>,
    %get3A_21 = vector.shape_cast %get3A_20 : vector<16xi32> to vector<16xi32>
    %iota3A = tpu.iota {dimensions = array<i32: 0>} : vector<16xi32>
    %broadcast_in_dim3A = arith.constant 1 : i32
    %broadcast_in_dim3A_22 = vector.broadcast %broadcast_in_dim3A : i32 to vector<16xi32>
    %lt3A = arith.constant 0 : i32
    %lt3A_23 = vector.broadcast %lt3A : i32 to vector<16xi32>
    %lt3A_24 = arith.cmpi slt, %broadcast_in_dim3A_22, %lt3A_23 : vector<16xi32>
    %add3A_25 = arith.constant 16 : i32
    %add3A_26 = vector.broadcast %add3A_25 : i32 to vector<16xi32>
    %add3A_27 = arith.addi %broadcast_in_dim3A_22, %add3A_26 : vector<16xi32>
    %select_n3A = arith.select %lt3A_24, %add3A_27, %broadcast_in_dim3A_22 : vector<16xi1>, vector<16xi32>
    %reshape3A = vector.shape_cast %select_n3A : vector<16xi32> to vector<16x1xi32>
    %gather3A = vector.shape_cast %reshape3A : vector<16x1xi32> to vector<16xi32>
    %gather3A_28 = tpu.dynamic_gather %get3A_21[%gather3A] in [0] : vector<16xi32>, vector<16xi32> -> vector<16xi32>
    %eq3A = arith.cmpi eq, %get3A_21, %gather3A_28 : vector<16xi32>
    %jit3A = arith.constant 1 : i32
    %broadcast_in_dim3A_29 = vector.broadcast %jit3A : i32 to vector<16xi32>
    %select_n3A_30 = arith.select %eq3A, %broadcast_in_dim3A_29, %iota3A : vector<16xi1>, vector<16xi32>
    %broadcast_in_dim3A_31 = arith.constant 2 : i32
    %broadcast_in_dim3A_32 = vector.broadcast %broadcast_in_dim3A_31 : i32 to vector<16xi32>
    %lt3A_33 = arith.constant 0 : i32
    %lt3A_34 = vector.broadcast %lt3A_33 : i32 to vector<16xi32>
    %lt3A_35 = arith.cmpi slt, %broadcast_in_dim3A_32, %lt3A_34 : vector<16xi32>
    %add3A_36 = arith.constant 16 : i32
    %add3A_37 = vector.broadcast %add3A_36 : i32 to vector<16xi32>
    %add3A_38 = arith.addi %broadcast_in_dim3A_32, %add3A_37 : vector<16xi32>
    %select_n3A_39 = arith.select %lt3A_35, %add3A_38, %broadcast_in_dim3A_32 : vector<16xi1>, vector<16xi32>
    %reshape3A_40 = vector.shape_cast %select_n3A_39 : vector<16xi32> to vector<16x1xi32>
    %gather3A_41 = vector.shape_cast %reshape3A_40 : vector<16x1xi32> to vector<16xi32>
    %gather3A_42 = tpu.dynamic_gather %get3A_21[%gather3A_41] in [0] : vector<16xi32>, vector<16xi32> -> vector<16xi32>
    %eq3A_43 = arith.cmpi eq, %get3A_21, %gather3A_42 : vector<16xi32>
    %jit3A_44 = arith.constant 2 : i32
    %broadcast_in_dim3A_45 = vector.broadcast %jit3A_44 : i32 to vector<16xi32>
    %select_n3A_46 = arith.select %eq3A_43, %broadcast_in_dim3A_45, %select_n3A_30 : vector<16xi1>, vector<16xi32>
    %broadcast_in_dim3A_47 = arith.constant 3 : i32
    %broadcast_in_dim3A_48 = vector.broadcast %broadcast_in_dim3A_47 : i32 to vector<16xi32>
    %lt3A_49 = arith.constant 0 : i32
    %lt3A_50 = vector.broadcast %lt3A_49 : i32 to vector<16xi32>
    %lt3A_51 = arith.cmpi slt, %broadcast_in_dim3A_48, %lt3A_50 : vector<16xi32>
    %add3A_52 = arith.constant 16 : i32
    %add3A_53 = vector.broadcast %add3A_52 : i32 to vector<16xi32>
    %add3A_54 = arith.addi %broadcast_in_dim3A_48, %add3A_53 : vector<16xi32>
    %select_n3A_55 = arith.select %lt3A_51, %add3A_54, %broadcast_in_dim3A_48 : vector<16xi1>, vector<16xi32>
    %reshape3A_56 = vector.shape_cast %select_n3A_55 : vector<16xi32> to vector<16x1xi32>
    %gather3A_57 = vector.shape_cast %reshape3A_56 : vector<16x1xi32> to vector<16xi32>
    %gather3A_58 = tpu.dynamic_gather %get3A_21[%gather3A_57] in [0] : vector<16xi32>, vector<16xi32> -> vector<16xi32>
    %eq3A_59 = arith.cmpi eq, %get3A_21, %gather3A_58 : vector<16xi32>
    %jit3A_60 = arith.constant 3 : i32
    %broadcast_in_dim3A_61 = vector.broadcast %jit3A_60 : i32 to vector<16xi32>
    %select_n3A_62 = arith.select %eq3A_59, %broadcast_in_dim3A_61, %select_n3A_46 : vector<16xi1>, vector<16xi32>
    %broadcast_in_dim3A_63 = arith.constant 4 : i32
    %broadcast_in_dim3A_64 = vector.broadcast %broadcast_in_dim3A_63 : i32 to vector<16xi32>
    %lt3A_65 = arith.constant 0 : i32
    %lt3A_66 = vector.broadcast %lt3A_65 : i32 to vector<16xi32>
    %lt3A_67 = arith.cmpi slt, %broadcast_in_dim3A_64, %lt3A_66 : vector<16xi32>
    %add3A_68 = arith.constant 16 : i32
    %add3A_69 = vector.broadcast %add3A_68 : i32 to vector<16xi32>
    %add3A_70 = arith.addi %broadcast_in_dim3A_64, %add3A_69 : vector<16xi32>
    %select_n3A_71 = arith.select %lt3A_67, %add3A_70, %broadcast_in_dim3A_64 : vector<16xi1>, vector<16xi32>
    %reshape3A_72 = vector.shape_cast %select_n3A_71 : vector<16xi32> to vector<16x1xi32>
    %gather3A_73 = vector.shape_cast %reshape3A_72 : vector<16x1xi32> to vector<16xi32>
    %gather3A_74 = tpu.dynamic_gather %get3A_21[%gather3A_73] in [0] : vector<16xi32>, vector<16xi32> -> vector<16xi32>
    %eq3A_75 = arith.cmpi eq, %get3A_21, %gather3A_74 : vector<16xi32>
    %jit3A_76 = arith.constant 4 : i32
    %broadcast_in_dim3A_77 = vector.broadcast %jit3A_76 : i32 to vector<16xi32>
    %select_n3A_78 = arith.select %eq3A_75, %broadcast_in_dim3A_77, %select_n3A_62 : vector<16xi1>, vector<16xi32>
    %broadcast_in_dim3A_79 = arith.constant 5 : i32
    %broadcast_in_dim3A_80 = vector.broadcast %broadcast_in_dim3A_79 : i32 to vector<16xi32>
    %lt3A_81 = arith.constant 0 : i32
    %lt3A_82 = vector.broadcast %lt3A_81 : i32 to vector<16xi32>
    %lt3A_83 = arith.cmpi slt, %broadcast_in_dim3A_80, %lt3A_82 : vector<16xi32>
    %add3A_84 = arith.constant 16 : i32
    %add3A_85 = vector.broadcast %add3A_84 : i32 to vector<16xi32>
    %add3A_86 = arith.addi %broadcast_in_dim3A_80, %add3A_85 : vector<16xi32>
    %select_n3A_87 = arith.select %lt3A_83, %add3A_86, %broadcast_in_dim3A_80 : vector<16xi1>, vector<16xi32>
    %reshape3A_88 = vector.shape_cast %select_n3A_87 : vector<16xi32> to vector<16x1xi32>
    %gather3A_89 = vector.shape_cast %reshape3A_88 : vector<16x1xi32> to vector<16xi32>
    %gather3A_90 = tpu.dynamic_gather %get3A_21[%gather3A_89] in [0] : vector<16xi32>, vector<16xi32> -> vector<16xi32>
    %eq3A_91 = arith.cmpi eq, %get3A_21, %gather3A_90 : vector<16xi32>
    %jit3A_92 = arith.constant 5 : i32
    %broadcast_in_dim3A_93 = vector.broadcast %jit3A_92 : i32 to vector<16xi32>
    %select_n3A_94 = arith.select %eq3A_91, %broadcast_in_dim3A_93, %select_n3A_78 : vector<16xi1>, vector<16xi32>
    %broadcast_in_dim3A_95 = arith.constant 6 : i32
    %broadcast_in_dim3A_96 = vector.broadcast %broadcast_in_dim3A_95 : i32 to vector<16xi32>
    %lt3A_97 = arith.constant 0 : i32
    %lt3A_98 = vector.broadcast %lt3A_97 : i32 to vector<16xi32>
    %lt3A_99 = arith.cmpi slt, %broadcast_in_dim3A_96, %lt3A_98 : vector<16xi32>
    %add3A_100 = arith.constant 16 : i32
    %add3A_101 = vector.broadcast %add3A_100 : i32 to vector<16xi32>
    %add3A_102 = arith.addi %broadcast_in_dim3A_96, %add3A_101 : vector<16xi32>
    %select_n3A_103 = arith.select %lt3A_99, %add3A_102, %broadcast_in_dim3A_96 : vector<16xi1>, vector<16xi32>
    %reshape3A_104 = vector.shape_cast %select_n3A_103 : vector<16xi32> to vector<16x1xi32>
    %gather3A_105 = vector.shape_cast %reshape3A_104 : vector<16x1xi32> to vector<16xi32>
    %gather3A_106 = tpu.dynamic_gather %get3A_21[%gather3A_105] in [0] : vector<16xi32>, vector<16xi32> -> vector<16xi32>
    %eq3A_107 = arith.cmpi eq, %get3A_21, %gather3A_106 : vector<16xi32>
    %jit3A_108 = arith.constant 6 : i32
    %broadcast_in_dim3A_109 = vector.broadcast %jit3A_108 : i32 to vector<16xi32>
    %select_n3A_110 = arith.select %eq3A_107, %broadcast_in_dim3A_109, %select_n3A_94 : vector<16xi1>, vector<16xi32>
    %broadcast_in_dim3A_111 = arith.constant 7 : i32
    %broadcast_in_dim3A_112 = vector.broadcast %broadcast_in_dim3A_111 : i32 to vector<16xi32>
    %lt3A_113 = arith.constant 0 : i32
    %lt3A_114 = vector.broadcast %lt3A_113 : i32 to vector<16xi32>
    %lt3A_115 = arith.cmpi slt, %broadcast_in_dim3A_112, %lt3A_114 : vector<16xi32>
    %add3A_116 = arith.constant 16 : i32
    %add3A_117 = vector.broadcast %add3A_116 : i32 to vector<16xi32>
    %add3A_118 = arith.addi %broadcast_in_dim3A_112, %add3A_117 : vector<16xi32>
    %select_n3A_119 = arith.select %lt3A_115, %add3A_118, %broadcast_in_dim3A_112 : vector<16xi1>, vector<16xi32>
    %reshape3A_120 = vector.shape_cast %select_n3A_119 : vector<16xi32> to vector<16x1xi32>
    %gather3A_121 = vector.shape_cast %reshape3A_120 : vector<16x1xi32> to vector<16xi32>
    %gather3A_122 = tpu.dynamic_gather %get3A_21[%gather3A_121] in [0] : vector<16xi32>, vector<16xi32> -> vector<16xi32>
    %eq3A_123 = arith.cmpi eq, %get3A_21, %gather3A_122 : vector<16xi32>
    %jit3A_124 = arith.constant 7 : i32
    %broadcast_in_dim3A_125 = vector.broadcast %jit3A_124 : i32 to vector<16xi32>
    %select_n3A_126 = arith.select %eq3A_123, %broadcast_in_dim3A_125, %select_n3A_110 : vector<16xi1>, vector<16xi32>
    %broadcast_in_dim3A_127 = arith.constant 8 : i32
    %broadcast_in_dim3A_128 = vector.broadcast %broadcast_in_dim3A_127 : i32 to vector<16xi32>
    %lt3A_129 = arith.constant 0 : i32
    %lt3A_130 = vector.broadcast %lt3A_129 : i32 to vector<16xi32>
    %lt3A_131 = arith.cmpi slt, %broadcast_in_dim3A_128, %lt3A_130 : vector<16xi32>
    %add3A_132 = arith.constant 16 : i32
    %add3A_133 = vector.broadcast %add3A_132 : i32 to vector<16xi32>
    %add3A_134 = arith.addi %broadcast_in_dim3A_128, %add3A_133 : vector<16xi32>
    %select_n3A_135 = arith.select %lt3A_131, %add3A_134, %broadcast_in_dim3A_128 : vector<16xi1>, vector<16xi32>
    %reshape3A_136 = vector.shape_cast %select_n3A_135 : vector<16xi32> to vector<16x1xi32>
    %gather3A_137 = vector.shape_cast %reshape3A_136 : vector<16x1xi32> to vector<16xi32>
    %gather3A_138 = tpu.dynamic_gather %get3A_21[%gather3A_137] in [0] : vector<16xi32>, vector<16xi32> -> vector<16xi32>
    %eq3A_139 = arith.cmpi eq, %get3A_21, %gather3A_138 : vector<16xi32>
    %jit3A_140 = arith.constant 8 : i32
    %broadcast_in_dim3A_141 = vector.broadcast %jit3A_140 : i32 to vector<16xi32>
    %select_n3A_142 = arith.select %eq3A_139, %broadcast_in_dim3A_141, %select_n3A_126 : vector<16xi1>, vector<16xi32>
    %broadcast_in_dim3A_143 = arith.constant 9 : i32
    %broadcast_in_dim3A_144 = vector.broadcast %broadcast_in_dim3A_143 : i32 to vector<16xi32>
    %lt3A_145 = arith.constant 0 : i32
    %lt3A_146 = vector.broadcast %lt3A_145 : i32 to vector<16xi32>
    %lt3A_147 = arith.cmpi slt, %broadcast_in_dim3A_144, %lt3A_146 : vector<16xi32>
    %add3A_148 = arith.constant 16 : i32
    %add3A_149 = vector.broadcast %add3A_148 : i32 to vector<16xi32>
    %add3A_150 = arith.addi %broadcast_in_dim3A_144, %add3A_149 : vector<16xi32>
    %select_n3A_151 = arith.select %lt3A_147, %add3A_150, %broadcast_in_dim3A_144 : vector<16xi1>, vector<16xi32>
    %reshape3A_152 = vector.shape_cast %select_n3A_151 : vector<16xi32> to vector<16x1xi32>
    %gather3A_153 = vector.shape_cast %reshape3A_152 : vector<16x1xi32> to vector<16xi32>
    %gather3A_154 = tpu.dynamic_gather %get3A_21[%gather3A_153] in [0] : vector<16xi32>, vector<16xi32> -> vector<16xi32>
    %eq3A_155 = arith.cmpi eq, %get3A_21, %gather3A_154 : vector<16xi32>
    %jit3A_156 = arith.constant 9 : i32
    %broadcast_in_dim3A_157 = vector.broadcast %jit3A_156 : i32 to vector<16xi32>
    %select_n3A_158 = arith.select %eq3A_155, %broadcast_in_dim3A_157, %select_n3A_142 : vector<16xi1>, vector<16xi32>
    %broadcast_in_dim3A_159 = arith.constant 10 : i32
    %broadcast_in_dim3A_160 = vector.broadcast %broadcast_in_dim3A_159 : i32 to vector<16xi32>
    %lt3A_161 = arith.constant 0 : i32
    %lt3A_162 = vector.broadcast %lt3A_161 : i32 to vector<16xi32>
    %lt3A_163 = arith.cmpi slt, %broadcast_in_dim3A_160, %lt3A_162 : vector<16xi32>
    %add3A_164 = arith.constant 16 : i32
    %add3A_165 = vector.broadcast %add3A_164 : i32 to vector<16xi32>
    %add3A_166 = arith.addi %broadcast_in_dim3A_160, %add3A_165 : vector<16xi32>
    %select_n3A_167 = arith.select %lt3A_163, %add3A_166, %broadcast_in_dim3A_160 : vector<16xi1>, vector<16xi32>
    %reshape3A_168 = vector.shape_cast %select_n3A_167 : vector<16xi32> to vector<16x1xi32>
    %gather3A_169 = vector.shape_cast %reshape3A_168 : vector<16x1xi32> to vector<16xi32>
    %gather3A_170 = tpu.dynamic_gather %get3A_21[%gather3A_169] in [0] : vector<16xi32>, vector<16xi32> -> vector<16xi32>
    %eq3A_171 = arith.cmpi eq, %get3A_21, %gather3A_170 : vector<16xi32>
    %jit3A_172 = arith.constant 10 : i32
    %broadcast_in_dim3A_173 = vector.broadcast %jit3A_172 : i32 to vector<16xi32>
    %select_n3A_174 = arith.select %eq3A_171, %broadcast_in_dim3A_173, %select_n3A_158 : vector<16xi1>, vector<16xi32>
    %broadcast_in_dim3A_175 = arith.constant 11 : i32
    %broadcast_in_dim3A_176 = vector.broadcast %broadcast_in_dim3A_175 : i32 to vector<16xi32>
    %lt3A_177 = arith.constant 0 : i32
    %lt3A_178 = vector.broadcast %lt3A_177 : i32 to vector<16xi32>
    %lt3A_179 = arith.cmpi slt, %broadcast_in_dim3A_176, %lt3A_178 : vector<16xi32>
    %add3A_180 = arith.constant 16 : i32
    %add3A_181 = vector.broadcast %add3A_180 : i32 to vector<16xi32>
    %add3A_182 = arith.addi %broadcast_in_dim3A_176, %add3A_181 : vector<16xi32>
    %select_n3A_183 = arith.select %lt3A_179, %add3A_182, %broadcast_in_dim3A_176 : vector<16xi1>, vector<16xi32>
    %reshape3A_184 = vector.shape_cast %select_n3A_183 : vector<16xi32> to vector<16x1xi32>
    %gather3A_185 = vector.shape_cast %reshape3A_184 : vector<16x1xi32> to vector<16xi32>
    %gather3A_186 = tpu.dynamic_gather %get3A_21[%gather3A_185] in [0] : vector<16xi32>, vector<16xi32> -> vector<16xi32>
    %eq3A_187 = arith.cmpi eq, %get3A_21, %gather3A_186 : vector<16xi32>
    %jit3A_188 = arith.constant 11 : i32
    %broadcast_in_dim3A_189 = vector.broadcast %jit3A_188 : i32 to vector<16xi32>
    %select_n3A_190 = arith.select %eq3A_187, %broadcast_in_dim3A_189, %select_n3A_174 : vector<16xi1>, vector<16xi32>
    %broadcast_in_dim3A_191 = arith.constant 12 : i32
    %broadcast_in_dim3A_192 = vector.broadcast %broadcast_in_dim3A_191 : i32 to vector<16xi32>
    %lt3A_193 = arith.constant 0 : i32
    %lt3A_194 = vector.broadcast %lt3A_193 : i32 to vector<16xi32>
    %lt3A_195 = arith.cmpi slt, %broadcast_in_dim3A_192, %lt3A_194 : vector<16xi32>
    %add3A_196 = arith.constant 16 : i32
    %add3A_197 = vector.broadcast %add3A_196 : i32 to vector<16xi32>
    %add3A_198 = arith.addi %broadcast_in_dim3A_192, %add3A_197 : vector<16xi32>
    %select_n3A_199 = arith.select %lt3A_195, %add3A_198, %broadcast_in_dim3A_192 : vector<16xi1>, vector<16xi32>
    %reshape3A_200 = vector.shape_cast %select_n3A_199 : vector<16xi32> to vector<16x1xi32>
    %gather3A_201 = vector.shape_cast %reshape3A_200 : vector<16x1xi32> to vector<16xi32>
    %gather3A_202 = tpu.dynamic_gather %get3A_21[%gather3A_201] in [0] : vector<16xi32>, vector<16xi32> -> vector<16xi32>
    %eq3A_203 = arith.cmpi eq, %get3A_21, %gather3A_202 : vector<16xi32>
    %jit3A_204 = arith.constant 12 : i32
    %broadcast_in_dim3A_205 = vector.broadcast %jit3A_204 : i32 to vector<16xi32>
    %select_n3A_206 = arith.select %eq3A_203, %broadcast_in_dim3A_205, %select_n3A_190 : vector<16xi1>, vector<16xi32>
    %broadcast_in_dim3A_207 = arith.constant 13 : i32
    %broadcast_in_dim3A_208 = vector.broadcast %broadcast_in_dim3A_207 : i32 to vector<16xi32>
    %lt3A_209 = arith.constant 0 : i32
    %lt3A_210 = vector.broadcast %lt3A_209 : i32 to vector<16xi32>
    %lt3A_211 = arith.cmpi slt, %broadcast_in_dim3A_208, %lt3A_210 : vector<16xi32>
    %add3A_212 = arith.constant 16 : i32
    %add3A_213 = vector.broadcast %add3A_212 : i32 to vector<16xi32>
    %add3A_214 = arith.addi %broadcast_in_dim3A_208, %add3A_213 : vector<16xi32>
    %select_n3A_215 = arith.select %lt3A_211, %add3A_214, %broadcast_in_dim3A_208 : vector<16xi1>, vector<16xi32>
    %reshape3A_216 = vector.shape_cast %select_n3A_215 : vector<16xi32> to vector<16x1xi32>
    %gather3A_217 = vector.shape_cast %reshape3A_216 : vector<16x1xi32> to vector<16xi32>
    %gather3A_218 = tpu.dynamic_gather %get3A_21[%gather3A_217] in [0] : vector<16xi32>, vector<16xi32> -> vector<16xi32>
    %eq3A_219 = arith.cmpi eq, %get3A_21, %gather3A_218 : vector<16xi32>
    %jit3A_220 = arith.constant 13 : i32
    %broadcast_in_dim3A_221 = vector.broadcast %jit3A_220 : i32 to vector<16xi32>
    %select_n3A_222 = arith.select %eq3A_219, %broadcast_in_dim3A_221, %select_n3A_206 : vector<16xi1>, vector<16xi32>
    %broadcast_in_dim3A_223 = arith.constant 14 : i32
    %broadcast_in_dim3A_224 = vector.broadcast %broadcast_in_dim3A_223 : i32 to vector<16xi32>
    %lt3A_225 = arith.constant 0 : i32
    %lt3A_226 = vector.broadcast %lt3A_225 : i32 to vector<16xi32>
    %lt3A_227 = arith.cmpi slt, %broadcast_in_dim3A_224, %lt3A_226 : vector<16xi32>
    %add3A_228 = arith.constant 16 : i32
    %add3A_229 = vector.broadcast %add3A_228 : i32 to vector<16xi32>
    %add3A_230 = arith.addi %broadcast_in_dim3A_224, %add3A_229 : vector<16xi32>
    %select_n3A_231 = arith.select %lt3A_227, %add3A_230, %broadcast_in_dim3A_224 : vector<16xi1>, vector<16xi32>
    %reshape3A_232 = vector.shape_cast %select_n3A_231 : vector<16xi32> to vector<16x1xi32>
    %gather3A_233 = vector.shape_cast %reshape3A_232 : vector<16x1xi32> to vector<16xi32>
    %gather3A_234 = tpu.dynamic_gather %get3A_21[%gather3A_233] in [0] : vector<16xi32>, vector<16xi32> -> vector<16xi32>
    %eq3A_235 = arith.cmpi eq, %get3A_21, %gather3A_234 : vector<16xi32>
    %jit3A_236 = arith.constant 14 : i32
    %broadcast_in_dim3A_237 = vector.broadcast %jit3A_236 : i32 to vector<16xi32>
    %select_n3A_238 = arith.select %eq3A_235, %broadcast_in_dim3A_237, %select_n3A_222 : vector<16xi1>, vector<16xi32>
    %broadcast_in_dim3A_239 = arith.constant 15 : i32
    %broadcast_in_dim3A_240 = vector.broadcast %broadcast_in_dim3A_239 : i32 to vector<16xi32>
    %lt3A_241 = arith.constant 0 : i32
    %lt3A_242 = vector.broadcast %lt3A_241 : i32 to vector<16xi32>
    %lt3A_243 = arith.cmpi slt, %broadcast_in_dim3A_240, %lt3A_242 : vector<16xi32>
    %add3A_244 = arith.constant 16 : i32
    %add3A_245 = vector.broadcast %add3A_244 : i32 to vector<16xi32>
    %add3A_246 = arith.addi %broadcast_in_dim3A_240, %add3A_245 : vector<16xi32>
    %select_n3A_247 = arith.select %lt3A_243, %add3A_246, %broadcast_in_dim3A_240 : vector<16xi1>, vector<16xi32>
    %reshape3A_248 = vector.shape_cast %select_n3A_247 : vector<16xi32> to vector<16x1xi32>
    %gather3A_249 = vector.shape_cast %reshape3A_248 : vector<16x1xi32> to vector<16xi32>
    %gather3A_250 = tpu.dynamic_gather %get3A_21[%gather3A_249] in [0] : vector<16xi32>, vector<16xi32> -> vector<16xi32>
    %eq3A_251 = arith.cmpi eq, %get3A_21, %gather3A_250 : vector<16xi32>
    %jit3A_252 = arith.constant 15 : i32
    %broadcast_in_dim3A_253 = vector.broadcast %jit3A_252 : i32 to vector<16xi32>
    %select_n3A_254 = arith.select %eq3A_251, %broadcast_in_dim3A_253, %select_n3A_238 : vector<16xi1>, vector<16xi32>
    %mul3A_255 = arith.constant 2 : i32
    %mul3A_256 = arith.muli %mul3A_255, %add3A : i32
    %add3A_257 = arith.constant 0 : i32
    %add3A_258 = arith.addi %mul3A_256, %add3A_257 : i32
    %mul3A_259 = arith.constant 2 : i32
    %mul3A_260 = arith.muli %mul3A_259, %add3A : i32
    %add3A_261 = arith.constant 1 : i32
    %add3A_262 = arith.addi %mul3A_260, %add3A_261 : i32
    %mul3A_263 = arith.constant 2 : i32
    %mul3A_264 = arith.muli %mul3A_263, %add3A : i32
    %add3A_265 = arith.constant 64 : i32
    %add3A_266 = arith.addi %add3A_265, %mul3A_264 : i32
    %add3A_267 = arith.constant 0 : i32
    %add3A_268 = arith.addi %add3A_266, %add3A_267 : i32
    %mul3A_269 = arith.constant 2 : i32
    %mul3A_270 = arith.muli %mul3A_269, %add3A : i32
    %add3A_271 = arith.constant 64 : i32
    %add3A_272 = arith.addi %add3A_271, %mul3A_270 : i32
    %add3A_273 = arith.constant 1 : i32
    %add3A_274 = arith.addi %add3A_272, %add3A_273 : i32
    %mul3A_275 = arith.constant 16 : i32
    %mul3A_276 = arith.muli %add3A_258, %mul3A_275 : i32
    %add3A_277 = vector.broadcast %mul3A_276 : i32 to vector<16xi32>
    %add3A_278 = arith.addi %add3A_277, %select_n3A_254 : vector<16xi32>
    %swap3A = arith.constant 0 : index
    %swap3A_279 = tpu.vector_load %arg8[%swap3A] {strides = array<i32>} : memref<64xi32, #tpu.memory_space<vmem>>, vector<16xi32>,
    %swap3A_280 = vector.shape_cast %swap3A_279 : vector<16xi32> to vector<16xi32>
    %swap3A_281 = vector.shape_cast %add3A_278 : vector<16xi32> to vector<16xi32>
    tpu.vector_store %arg8[%swap3A], %swap3A_281 {strides = array<i32>} : memref<64xi32, #tpu.memory_space<vmem>>, vector<16xi32>,
    %mul3A_282 = arith.constant 4096 : i32
    %mul3A_283 = arith.muli %add3A_258, %mul3A_282 : i32
    %add3A_284 = vector.broadcast %mul3A_283 : i32 to vector<16xi32>
    %add3A_285 = arith.addi %add3A_284, %get3A_21 : vector<16xi32>
    %swap3A_286 = arith.constant 0 : index
    %swap3A_287 = tpu.vector_load %arg9[%swap3A_286] {strides = array<i32>} : memref<64xi32, #tpu.memory_space<vmem>>, vector<16xi32>,
    %swap3A_288 = vector.shape_cast %swap3A_287 : vector<16xi32> to vector<16xi32>
    %swap3A_289 = vector.shape_cast %add3A_285 : vector<16xi32> to vector<16xi32>
    tpu.vector_store %arg9[%swap3A_286], %swap3A_289 {strides = array<i32>} : memref<64xi32, #tpu.memory_space<vmem>>, vector<16xi32>,
    %mul3A_290 = arith.constant 16 : i32
    %mul3A_291 = arith.muli %add3A_262, %mul3A_290 : i32
    %add3A_292 = vector.broadcast %mul3A_291 : i32 to vector<16xi32>
    %add3A_293 = arith.addi %add3A_292, %select_n3A_254 : vector<16xi32>
    %swap3A_294 = arith.constant 16 : index
    %swap3A_295 = tpu.vector_load %arg8[%swap3A_294] {strides = array<i32>} : memref<64xi32, #tpu.memory_space<vmem>>, vector<16xi32>,
    %swap3A_296 = vector.shape_cast %swap3A_295 : vector<16xi32> to vector<16xi32>
    %swap3A_297 = vector.shape_cast %add3A_293 : vector<16xi32> to vector<16xi32>
    tpu.vector_store %arg8[%swap3A_294], %swap3A_297 {strides = array<i32>} : memref<64xi32, #tpu.memory_space<vmem>>, vector<16xi32>,
    %mul3A_298 = arith.constant 4096 : i32
    %mul3A_299 = arith.muli %add3A_262, %mul3A_298 : i32
    %add3A_300 = vector.broadcast %mul3A_299 : i32 to vector<16xi32>
    %add3A_301 = arith.addi %add3A_300, %get3A_21 : vector<16xi32>
    %swap3A_302 = arith.constant 16 : index
    %swap3A_303 = tpu.vector_load %arg9[%swap3A_302] {strides = array<i32>} : memref<64xi32, #tpu.memory_space<vmem>>, vector<16xi32>,
    %swap3A_304 = vector.shape_cast %swap3A_303 : vector<16xi32> to vector<16xi32>
    %swap3A_305 = vector.shape_cast %add3A_301 : vector<16xi32> to vector<16xi32>
    tpu.vector_store %arg9[%swap3A_302], %swap3A_305 {strides = array<i32>} : memref<64xi32, #tpu.memory_space<vmem>>, vector<16xi32>,
    %mul3A_306 = arith.constant 16 : i32
    %mul3A_307 = arith.muli %add3A_268, %mul3A_306 : i32
    %add3A_308 = vector.broadcast %mul3A_307 : i32 to vector<16xi32>
    %add3A_309 = arith.addi %add3A_308, %select_n3A_254 : vector<16xi32>
    %swap3A_310 = arith.constant 32 : index
    %swap3A_311 = tpu.vector_load %arg8[%swap3A_310] {strides = array<i32>} : memref<64xi32, #tpu.memory_space<vmem>>, vector<16xi32>,
    %swap3A_312 = vector.shape_cast %swap3A_311 : vector<16xi32> to vector<16xi32>
    %swap3A_313 = vector.shape_cast %add3A_309 : vector<16xi32> to vector<16xi32>
    tpu.vector_store %arg8[%swap3A_310], %swap3A_313 {strides = array<i32>} : memref<64xi32, #tpu.memory_space<vmem>>, vector<16xi32>,
    %mul3A_314 = arith.constant 4096 : i32
    %mul3A_315 = arith.muli %add3A_268, %mul3A_314 : i32
    %add3A_316 = vector.broadcast %mul3A_315 : i32 to vector<16xi32>
    %add3A_317 = arith.addi %add3A_316, %get3A_21 : vector<16xi32>
    %swap3A_318 = arith.constant 32 : index
    %swap3A_319 = tpu.vector_load %arg9[%swap3A_318] {strides = array<i32>} : memref<64xi32, #tpu.memory_space<vmem>>, vector<16xi32>,
    %swap3A_320 = vector.shape_cast %swap3A_319 : vector<16xi32> to vector<16xi32>
    %swap3A_321 = vector.shape_cast %add3A_317 : vector<16xi32> to vector<16xi32>
    tpu.vector_store %arg9[%swap3A_318], %swap3A_321 {strides = array<i32>} : memref<64xi32, #tpu.memory_space<vmem>>, vector<16xi32>,
    %mul3A_322 = arith.constant 16 : i32
    %mul3A_323 = arith.muli %add3A_274, %mul3A_322 : i32
    %add3A_324 = vector.broadcast %mul3A_323 : i32 to vector<16xi32>
    %add3A_325 = arith.addi %add3A_324, %select_n3A_254 : vector<16xi32>
    %swap3A_326 = arith.constant 48 : index
    %swap3A_327 = tpu.vector_load %arg8[%swap3A_326] {strides = array<i32>} : memref<64xi32, #tpu.memory_space<vmem>>, vector<16xi32>,
    %swap3A_328 = vector.shape_cast %swap3A_327 : vector<16xi32> to vector<16xi32>
    %swap3A_329 = vector.shape_cast %add3A_325 : vector<16xi32> to vector<16xi32>
    tpu.vector_store %arg8[%swap3A_326], %swap3A_329 {strides = array<i32>} : memref<64xi32, #tpu.memory_space<vmem>>, vector<16xi32>,
    %mul3A_330 = arith.constant 4096 : i32
    %mul3A_331 = arith.muli %add3A_274, %mul3A_330 : i32
    %add3A_332 = vector.broadcast %mul3A_331 : i32 to vector<16xi32>
    %add3A_333 = arith.addi %add3A_332, %get3A_21 : vector<16xi32>
    %swap3A_334 = arith.constant 48 : index
    %swap3A_335 = tpu.vector_load %arg9[%swap3A_334] {strides = array<i32>} : memref<64xi32, #tpu.memory_space<vmem>>, vector<16xi32>,
    %swap3A_336 = vector.shape_cast %swap3A_335 : vector<16xi32> to vector<16xi32>
    %swap3A_337 = vector.shape_cast %add3A_333 : vector<16xi32> to vector<16xi32>
    tpu.vector_store %arg9[%swap3A_334], %swap3A_337 {strides = array<i32>} : memref<64xi32, #tpu.memory_space<vmem>>, vector<16xi32>,
    %dma_start3A_338 = arith.constant 0 : i32
    %dma_start3A_339 = arith.constant 0 : i32
    %dma_start3A_340 = tpu.memref_slice %arg3[%dma_start3A_338, %dma_start3A_339] : memref<2048x128xf32, #tpu.memory_space<hbm>> -> memref<2048x128xf32, #tpu.memory_space<hbm>>
    tpu.enqueue_indirect_dma source(%dma_start3A_340 : memref<2048x128xf32, #tpu.memory_space<hbm>>) target(%arg10 : memref<64x128xf32, #tpu.memory_space<vmem>>) offsets(%arg8 : memref<64xi32, #tpu.memory_space<vmem>>) semaphore(%arg17 : memref<!tpu.dma_semaphore, #tpu.memory_space<semaphore_mem>>)
    %dma_wait3A = arith.constant 0 : i32
    %dma_wait3A_341 = arith.constant 0 : i32
    %dma_wait3A_342 = tpu.memref_slice %arg3[%dma_wait3A, %dma_wait3A_341] : memref<2048x128xf32, #tpu.memory_space<hbm>> -> memref<2048x128xf32, #tpu.memory_space<hbm>>
    tpu.wait_indirect_dma semaphore(%arg17 : memref<!tpu.dma_semaphore, #tpu.memory_space<semaphore_mem>>) src(%dma_wait3A_342 : memref<2048x128xf32, #tpu.memory_space<hbm>>) dst(%arg10 : memref<64x128xf32, #tpu.memory_space<vmem>>)
    %dma_start3A_343 = arith.constant 0 : i32
    %dma_start3A_344 = arith.constant 0 : i32
    %dma_start3A_345 = tpu.memref_slice %arg5[%dma_start3A_343, %dma_start3A_344] : memref<524288x128xf32, #tpu.memory_space<hbm>> -> memref<524288x128xf32, #tpu.memory_space<hbm>>
    tpu.enqueue_indirect_dma source(%arg10 : memref<64x128xf32, #tpu.memory_space<vmem>>) target(%dma_start3A_345 : memref<524288x128xf32, #tpu.memory_space<hbm>>) offsets(%arg9 : memref<64xi32, #tpu.memory_space<vmem>>) semaphore(%arg17 : memref<!tpu.dma_semaphore, #tpu.memory_space<semaphore_mem>>)
    %dma_wait3A_346 = arith.constant 0 : i32
    %dma_wait3A_347 = arith.constant 0 : i32
    %dma_wait3A_348 = tpu.memref_slice %arg5[%dma_wait3A_346, %dma_wait3A_347] : memref<524288x128xf32, #tpu.memory_space<hbm>> -> memref<524288x128xf32, #tpu.memory_space<hbm>>
    tpu.wait_indirect_dma semaphore(%arg17 : memref<!tpu.dma_semaphore, #tpu.memory_space<semaphore_mem>>) src(%arg10 : memref<64x128xf32, #tpu.memory_space<vmem>>) dst(%dma_wait3A_348 : memref<524288x128xf32, #tpu.memory_space<hbm>>)
    return
  }
}

module attributes {stable_mosaic.version = 14 : i64} {
  func.func @_tc_v_prefix_body(%arg0: i32, %arg1: memref<1x4096x128xf32, #tpu.memory_space<vmem>>, %arg2: memref<1x4096x128xf32, #tpu.memory_space<vmem>>) attributes {dimension_semantics = [#tpu.dimension_semantics<arbitrary>], iteration_bounds = array<i64: 64>, scalar_prefetch = 0 : i64, scratch_operands = 0 : i64, tpu.core_type = #tpu.core_type<tc>, window_params = [{transform_indices = @transform_0, window_bounds = array<i64: 1, 4096, 128>}, {transform_indices = @transform_1, window_bounds = array<i64: 1, 4096, 128>}]} {
    %get3A = arith.constant 0 : index
    %get3A_0 = arith.constant 0 : index
    %get3A_1 = arith.constant 0 : index
    %get3A_2 = vector.load %arg1[%get3A, %get3A_0, %get3A_1] : memref<1x4096x128xf32, #tpu.memory_space<vmem>>, vector<1x4096x128xf32>
    %swap3A = arith.constant 0 : index
    %swap3A_3 = arith.constant 0 : index
    %swap3A_4 = arith.constant 0 : index
    %swap3A_5 = vector.load %arg2[%swap3A, %swap3A_3, %swap3A_4] : memref<1x4096x128xf32, #tpu.memory_space<vmem>>, vector<1x4096x128xf32>
    tpu.vector_store %arg2[%swap3A, %swap3A_3, %swap3A_4], %get3A_2 {strides = array<i32>} : memref<1x4096x128xf32, #tpu.memory_space<vmem>>, vector<1x4096x128xf32>,
    return
  }
  func.func @transform_0(%arg0: i32) -> (i32, i32, i32) {
    %c0_i32 = arith.constant 0 : i32
    %c0_i32_0 = arith.constant 0 : i32
    %c0_i32_1 = arith.constant 0 : i32
    return %arg0, %c0_i32, %c0_i32_0 : i32, i32, i32
  }
  func.func @transform_1(%arg0: i32) -> (i32, i32, i32) {
    %c0_i32 = arith.constant 0 : i32
    %c0_i32_0 = arith.constant 0 : i32
    %c0_i32_1 = arith.constant 0 : i32
    return %arg0, %c0_i32, %c0_i32_0 : i32, i32, i32
  }
}

module attributes {stable_mosaic.version = 14 : i64} {
  func.func @_tc_k_body(%arg0: i32, %arg1: memref<16xi32, #tpu.memory_space<smem>>, %arg2: memref<1x16x128xf32, #tpu.memory_space<vmem>>, %arg3: memref<1x4096x128xf32, #tpu.memory_space<vmem>>, %arg4: memref<1x4096x128xf32, #tpu.memory_space<vmem>>) attributes {dimension_semantics = [#tpu.dimension_semantics<arbitrary>], iteration_bounds = array<i64: 128>, scalar_prefetch = 0 : i64, scratch_operands = 0 : i64, tpu.core_type = #tpu.core_type<tc>, window_params = [{transform_indices = @transform_0, window_bounds = array<i64: 16>}, {transform_indices = @transform_1, window_bounds = array<i64: 1, 16, 128>}, {transform_indices = @transform_2, window_bounds = array<i64: 1, 4096, 128>}, {transform_indices = @transform_3, window_bounds = array<i64: 1, 4096, 128>}]} {
    %get3A = arith.constant 0 : index
    %get3A_0 = arith.constant 0 : index
    %get3A_1 = arith.constant 0 : index
    %get3A_2 = vector.load %arg3[%get3A, %get3A_0, %get3A_1] : memref<1x4096x128xf32, #tpu.memory_space<vmem>>, vector<1x4096x128xf32>
    %swap3A = arith.constant 0 : index
    %swap3A_3 = arith.constant 0 : index
    %swap3A_4 = arith.constant 0 : index
    %swap3A_5 = vector.load %arg4[%swap3A, %swap3A_3, %swap3A_4] : memref<1x4096x128xf32, #tpu.memory_space<vmem>>, vector<1x4096x128xf32>
    tpu.vector_store %arg4[%swap3A, %swap3A_3, %swap3A_4], %get3A_2 {strides = array<i32>} : memref<1x4096x128xf32, #tpu.memory_space<vmem>>, vector<1x4096x128xf32>,
    %get3A_6 = arith.constant 0 : index
    %get3A_7 = memref.load %arg1[%get3A_6] : memref<16xi32, #tpu.memory_space<smem>>
    %get3A_8 = arith.constant 1 : index
    %get3A_9 = memref.load %arg1[%get3A_8] : memref<16xi32, #tpu.memory_space<smem>>
    %eq3A = arith.cmpi eq, %get3A_9, %get3A_7 : i32
    %jit3A = arith.constant 1 : i32
    %jit3A_10 = arith.constant 0 : i32
    %select_n3A = arith.select %eq3A, %jit3A, %jit3A_10 : i32
    %get3A_11 = arith.constant 2 : index
    %get3A_12 = memref.load %arg1[%get3A_11] : memref<16xi32, #tpu.memory_space<smem>>
    %eq3A_13 = arith.cmpi eq, %get3A_12, %get3A_7 : i32
    %jit3A_14 = arith.constant 2 : i32
    %select_n3A_15 = arith.select %eq3A_13, %jit3A_14, %select_n3A : i32
    %get3A_16 = arith.constant 3 : index
    %get3A_17 = memref.load %arg1[%get3A_16] : memref<16xi32, #tpu.memory_space<smem>>
    %eq3A_18 = arith.cmpi eq, %get3A_17, %get3A_7 : i32
    %jit3A_19 = arith.constant 3 : i32
    %select_n3A_20 = arith.select %eq3A_18, %jit3A_19, %select_n3A_15 : i32
    %get3A_21 = arith.constant 4 : index
    %get3A_22 = memref.load %arg1[%get3A_21] : memref<16xi32, #tpu.memory_space<smem>>
    %eq3A_23 = arith.cmpi eq, %get3A_22, %get3A_7 : i32
    %jit3A_24 = arith.constant 4 : i32
    %select_n3A_25 = arith.select %eq3A_23, %jit3A_24, %select_n3A_20 : i32
    %get3A_26 = arith.constant 5 : index
    %get3A_27 = memref.load %arg1[%get3A_26] : memref<16xi32, #tpu.memory_space<smem>>
    %eq3A_28 = arith.cmpi eq, %get3A_27, %get3A_7 : i32
    %jit3A_29 = arith.constant 5 : i32
    %select_n3A_30 = arith.select %eq3A_28, %jit3A_29, %select_n3A_25 : i32
    %get3A_31 = arith.constant 6 : index
    %get3A_32 = memref.load %arg1[%get3A_31] : memref<16xi32, #tpu.memory_space<smem>>
    %eq3A_33 = arith.cmpi eq, %get3A_32, %get3A_7 : i32
    %jit3A_34 = arith.constant 6 : i32
    %select_n3A_35 = arith.select %eq3A_33, %jit3A_34, %select_n3A_30 : i32
    %get3A_36 = arith.constant 7 : index
    %get3A_37 = memref.load %arg1[%get3A_36] : memref<16xi32, #tpu.memory_space<smem>>
    %eq3A_38 = arith.cmpi eq, %get3A_37, %get3A_7 : i32
    %jit3A_39 = arith.constant 7 : i32
    %select_n3A_40 = arith.select %eq3A_38, %jit3A_39, %select_n3A_35 : i32
    %get3A_41 = arith.constant 8 : index
    %get3A_42 = memref.load %arg1[%get3A_41] : memref<16xi32, #tpu.memory_space<smem>>
    %eq3A_43 = arith.cmpi eq, %get3A_42, %get3A_7 : i32
    %jit3A_44 = arith.constant 8 : i32
    %select_n3A_45 = arith.select %eq3A_43, %jit3A_44, %select_n3A_40 : i32
    %get3A_46 = arith.constant 9 : index
    %get3A_47 = memref.load %arg1[%get3A_46] : memref<16xi32, #tpu.memory_space<smem>>
    %eq3A_48 = arith.cmpi eq, %get3A_47, %get3A_7 : i32
    %jit3A_49 = arith.constant 9 : i32
    %select_n3A_50 = arith.select %eq3A_48, %jit3A_49, %select_n3A_45 : i32
    %get3A_51 = arith.constant 10 : index
    %get3A_52 = memref.load %arg1[%get3A_51] : memref<16xi32, #tpu.memory_space<smem>>
    %eq3A_53 = arith.cmpi eq, %get3A_52, %get3A_7 : i32
    %jit3A_54 = arith.constant 10 : i32
    %select_n3A_55 = arith.select %eq3A_53, %jit3A_54, %select_n3A_50 : i32
    %get3A_56 = arith.constant 11 : index
    %get3A_57 = memref.load %arg1[%get3A_56] : memref<16xi32, #tpu.memory_space<smem>>
    %eq3A_58 = arith.cmpi eq, %get3A_57, %get3A_7 : i32
    %jit3A_59 = arith.constant 11 : i32
    %select_n3A_60 = arith.select %eq3A_58, %jit3A_59, %select_n3A_55 : i32
    %get3A_61 = arith.constant 12 : index
    %get3A_62 = memref.load %arg1[%get3A_61] : memref<16xi32, #tpu.memory_space<smem>>
    %eq3A_63 = arith.cmpi eq, %get3A_62, %get3A_7 : i32
    %jit3A_64 = arith.constant 12 : i32
    %select_n3A_65 = arith.select %eq3A_63, %jit3A_64, %select_n3A_60 : i32
    %get3A_66 = arith.constant 13 : index
    %get3A_67 = memref.load %arg1[%get3A_66] : memref<16xi32, #tpu.memory_space<smem>>
    %eq3A_68 = arith.cmpi eq, %get3A_67, %get3A_7 : i32
    %jit3A_69 = arith.constant 13 : i32
    %select_n3A_70 = arith.select %eq3A_68, %jit3A_69, %select_n3A_65 : i32
    %get3A_71 = arith.constant 14 : index
    %get3A_72 = memref.load %arg1[%get3A_71] : memref<16xi32, #tpu.memory_space<smem>>
    %eq3A_73 = arith.cmpi eq, %get3A_72, %get3A_7 : i32
    %jit3A_74 = arith.constant 14 : i32
    %select_n3A_75 = arith.select %eq3A_73, %jit3A_74, %select_n3A_70 : i32
    %get3A_76 = arith.constant 15 : index
    %get3A_77 = memref.load %arg1[%get3A_76] : memref<16xi32, #tpu.memory_space<smem>>
    %eq3A_78 = arith.cmpi eq, %get3A_77, %get3A_7 : i32
    %jit3A_79 = arith.constant 15 : i32
    %select_n3A_80 = arith.select %eq3A_78, %jit3A_79, %select_n3A_75 : i32
    %get3A_81 = arith.constant 0 : index
    %get3A_82 = arith.index_cast %select_n3A_80 : i32 to index
    %get3A_83 = arith.constant 0 : index
    %get3A_84 = vector.load %arg2[%get3A_81, %get3A_82, %get3A_83] : memref<1x16x128xf32, #tpu.memory_space<vmem>>, vector<1x1x128xf32>
    %get3A_85 = vector.shape_cast %get3A_84 : vector<1x1x128xf32> to vector<1x128xf32>
    %swap3A_86 = arith.constant 0 : index
    %swap3A_87 = arith.index_cast %get3A_7 : i32 to index
    %swap3A_88 = arith.constant 0 : index
    %swap3A_89 = vector.load %arg4[%swap3A_86, %swap3A_87, %swap3A_88] : memref<1x4096x128xf32, #tpu.memory_space<vmem>>, vector<1x1x128xf32>
    %swap3A_90 = vector.shape_cast %swap3A_89 : vector<1x1x128xf32> to vector<1x128xf32>
    %swap3A_91 = vector.shape_cast %get3A_85 : vector<1x128xf32> to vector<1x1x128xf32>
    tpu.vector_store %arg4[%swap3A_86, %swap3A_87, %swap3A_88], %swap3A_91 {strides = array<i32>} : memref<1x4096x128xf32, #tpu.memory_space<vmem>>, vector<1x1x128xf32>,
    %get3A_92 = arith.constant 1 : index
    %get3A_93 = memref.load %arg1[%get3A_92] : memref<16xi32, #tpu.memory_space<smem>>
    %get3A_94 = arith.constant 2 : index
    %get3A_95 = memref.load %arg1[%get3A_94] : memref<16xi32, #tpu.memory_space<smem>>
    %eq3A_96 = arith.cmpi eq, %get3A_95, %get3A_93 : i32
    %jit3A_97 = arith.constant 2 : i32
    %jit3A_98 = arith.constant 1 : i32
    %select_n3A_99 = arith.select %eq3A_96, %jit3A_97, %jit3A_98 : i32
    %get3A_100 = arith.constant 3 : index
    %get3A_101 = memref.load %arg1[%get3A_100] : memref<16xi32, #tpu.memory_space<smem>>
    %eq3A_102 = arith.cmpi eq, %get3A_101, %get3A_93 : i32
    %jit3A_103 = arith.constant 3 : i32
    %select_n3A_104 = arith.select %eq3A_102, %jit3A_103, %select_n3A_99 : i32
    %get3A_105 = arith.constant 4 : index
    %get3A_106 = memref.load %arg1[%get3A_105] : memref<16xi32, #tpu.memory_space<smem>>
    %eq3A_107 = arith.cmpi eq, %get3A_106, %get3A_93 : i32
    %jit3A_108 = arith.constant 4 : i32
    %select_n3A_109 = arith.select %eq3A_107, %jit3A_108, %select_n3A_104 : i32
    %get3A_110 = arith.constant 5 : index
    %get3A_111 = memref.load %arg1[%get3A_110] : memref<16xi32, #tpu.memory_space<smem>>
    %eq3A_112 = arith.cmpi eq, %get3A_111, %get3A_93 : i32
    %jit3A_113 = arith.constant 5 : i32
    %select_n3A_114 = arith.select %eq3A_112, %jit3A_113, %select_n3A_109 : i32
    %get3A_115 = arith.constant 6 : index
    %get3A_116 = memref.load %arg1[%get3A_115] : memref<16xi32, #tpu.memory_space<smem>>
    %eq3A_117 = arith.cmpi eq, %get3A_116, %get3A_93 : i32
    %jit3A_118 = arith.constant 6 : i32
    %select_n3A_119 = arith.select %eq3A_117, %jit3A_118, %select_n3A_114 : i32
    %get3A_120 = arith.constant 7 : index
    %get3A_121 = memref.load %arg1[%get3A_120] : memref<16xi32, #tpu.memory_space<smem>>
    %eq3A_122 = arith.cmpi eq, %get3A_121, %get3A_93 : i32
    %jit3A_123 = arith.constant 7 : i32
    %select_n3A_124 = arith.select %eq3A_122, %jit3A_123, %select_n3A_119 : i32
    %get3A_125 = arith.constant 8 : index
    %get3A_126 = memref.load %arg1[%get3A_125] : memref<16xi32, #tpu.memory_space<smem>>
    %eq3A_127 = arith.cmpi eq, %get3A_126, %get3A_93 : i32
    %jit3A_128 = arith.constant 8 : i32
    %select_n3A_129 = arith.select %eq3A_127, %jit3A_128, %select_n3A_124 : i32
    %get3A_130 = arith.constant 9 : index
    %get3A_131 = memref.load %arg1[%get3A_130] : memref<16xi32, #tpu.memory_space<smem>>
    %eq3A_132 = arith.cmpi eq, %get3A_131, %get3A_93 : i32
    %jit3A_133 = arith.constant 9 : i32
    %select_n3A_134 = arith.select %eq3A_132, %jit3A_133, %select_n3A_129 : i32
    %get3A_135 = arith.constant 10 : index
    %get3A_136 = memref.load %arg1[%get3A_135] : memref<16xi32, #tpu.memory_space<smem>>
    %eq3A_137 = arith.cmpi eq, %get3A_136, %get3A_93 : i32
    %jit3A_138 = arith.constant 10 : i32
    %select_n3A_139 = arith.select %eq3A_137, %jit3A_138, %select_n3A_134 : i32
    %get3A_140 = arith.constant 11 : index
    %get3A_141 = memref.load %arg1[%get3A_140] : memref<16xi32, #tpu.memory_space<smem>>
    %eq3A_142 = arith.cmpi eq, %get3A_141, %get3A_93 : i32
    %jit3A_143 = arith.constant 11 : i32
    %select_n3A_144 = arith.select %eq3A_142, %jit3A_143, %select_n3A_139 : i32
    %get3A_145 = arith.constant 12 : index
    %get3A_146 = memref.load %arg1[%get3A_145] : memref<16xi32, #tpu.memory_space<smem>>
    %eq3A_147 = arith.cmpi eq, %get3A_146, %get3A_93 : i32
    %jit3A_148 = arith.constant 12 : i32
    %select_n3A_149 = arith.select %eq3A_147, %jit3A_148, %select_n3A_144 : i32
    %get3A_150 = arith.constant 13 : index
    %get3A_151 = memref.load %arg1[%get3A_150] : memref<16xi32, #tpu.memory_space<smem>>
    %eq3A_152 = arith.cmpi eq, %get3A_151, %get3A_93 : i32
    %jit3A_153 = arith.constant 13 : i32
    %select_n3A_154 = arith.select %eq3A_152, %jit3A_153, %select_n3A_149 : i32
    %get3A_155 = arith.constant 14 : index
    %get3A_156 = memref.load %arg1[%get3A_155] : memref<16xi32, #tpu.memory_space<smem>>
    %eq3A_157 = arith.cmpi eq, %get3A_156, %get3A_93 : i32
    %jit3A_158 = arith.constant 14 : i32
    %select_n3A_159 = arith.select %eq3A_157, %jit3A_158, %select_n3A_154 : i32
    %get3A_160 = arith.constant 15 : index
    %get3A_161 = memref.load %arg1[%get3A_160] : memref<16xi32, #tpu.memory_space<smem>>
    %eq3A_162 = arith.cmpi eq, %get3A_161, %get3A_93 : i32
    %jit3A_163 = arith.constant 15 : i32
    %select_n3A_164 = arith.select %eq3A_162, %jit3A_163, %select_n3A_159 : i32
    %get3A_165 = arith.constant 0 : index
    %get3A_166 = arith.index_cast %select_n3A_164 : i32 to index
    %get3A_167 = arith.constant 0 : index
    %get3A_168 = vector.load %arg2[%get3A_165, %get3A_166, %get3A_167] : memref<1x16x128xf32, #tpu.memory_space<vmem>>, vector<1x1x128xf32>
    %get3A_169 = vector.shape_cast %get3A_168 : vector<1x1x128xf32> to vector<1x128xf32>
    %swap3A_170 = arith.constant 0 : index
    %swap3A_171 = arith.index_cast %get3A_93 : i32 to index
    %swap3A_172 = arith.constant 0 : index
    %swap3A_173 = vector.load %arg4[%swap3A_170, %swap3A_171, %swap3A_172] : memref<1x4096x128xf32, #tpu.memory_space<vmem>>, vector<1x1x128xf32>
    %swap3A_174 = vector.shape_cast %swap3A_173 : vector<1x1x128xf32> to vector<1x128xf32>
    %swap3A_175 = vector.shape_cast %get3A_169 : vector<1x128xf32> to vector<1x1x128xf32>
    tpu.vector_store %arg4[%swap3A_170, %swap3A_171, %swap3A_172], %swap3A_175 {strides = array<i32>} : memref<1x4096x128xf32, #tpu.memory_space<vmem>>, vector<1x1x128xf32>,
    %get3A_176 = arith.constant 2 : index
    %get3A_177 = memref.load %arg1[%get3A_176] : memref<16xi32, #tpu.memory_space<smem>>
    %get3A_178 = arith.constant 3 : index
    %get3A_179 = memref.load %arg1[%get3A_178] : memref<16xi32, #tpu.memory_space<smem>>
    %eq3A_180 = arith.cmpi eq, %get3A_179, %get3A_177 : i32
    %jit3A_181 = arith.constant 3 : i32
    %jit3A_182 = arith.constant 2 : i32
    %select_n3A_183 = arith.select %eq3A_180, %jit3A_181, %jit3A_182 : i32
    %get3A_184 = arith.constant 4 : index
    %get3A_185 = memref.load %arg1[%get3A_184] : memref<16xi32, #tpu.memory_space<smem>>
    %eq3A_186 = arith.cmpi eq, %get3A_185, %get3A_177 : i32
    %jit3A_187 = arith.constant 4 : i32
    %select_n3A_188 = arith.select %eq3A_186, %jit3A_187, %select_n3A_183 : i32
    %get3A_189 = arith.constant 5 : index
    %get3A_190 = memref.load %arg1[%get3A_189] : memref<16xi32, #tpu.memory_space<smem>>
    %eq3A_191 = arith.cmpi eq, %get3A_190, %get3A_177 : i32
    %jit3A_192 = arith.constant 5 : i32
    %select_n3A_193 = arith.select %eq3A_191, %jit3A_192, %select_n3A_188 : i32
    %get3A_194 = arith.constant 6 : index
    %get3A_195 = memref.load %arg1[%get3A_194] : memref<16xi32, #tpu.memory_space<smem>>
    %eq3A_196 = arith.cmpi eq, %get3A_195, %get3A_177 : i32
    %jit3A_197 = arith.constant 6 : i32
    %select_n3A_198 = arith.select %eq3A_196, %jit3A_197, %select_n3A_193 : i32
    %get3A_199 = arith.constant 7 : index
    %get3A_200 = memref.load %arg1[%get3A_199] : memref<16xi32, #tpu.memory_space<smem>>
    %eq3A_201 = arith.cmpi eq, %get3A_200, %get3A_177 : i32
    %jit3A_202 = arith.constant 7 : i32
    %select_n3A_203 = arith.select %eq3A_201, %jit3A_202, %select_n3A_198 : i32
    %get3A_204 = arith.constant 8 : index
    %get3A_205 = memref.load %arg1[%get3A_204] : memref<16xi32, #tpu.memory_space<smem>>
    %eq3A_206 = arith.cmpi eq, %get3A_205, %get3A_177 : i32
    %jit3A_207 = arith.constant 8 : i32
    %select_n3A_208 = arith.select %eq3A_206, %jit3A_207, %select_n3A_203 : i32
    %get3A_209 = arith.constant 9 : index
    %get3A_210 = memref.load %arg1[%get3A_209] : memref<16xi32, #tpu.memory_space<smem>>
    %eq3A_211 = arith.cmpi eq, %get3A_210, %get3A_177 : i32
    %jit3A_212 = arith.constant 9 : i32
    %select_n3A_213 = arith.select %eq3A_211, %jit3A_212, %select_n3A_208 : i32
    %get3A_214 = arith.constant 10 : index
    %get3A_215 = memref.load %arg1[%get3A_214] : memref<16xi32, #tpu.memory_space<smem>>
    %eq3A_216 = arith.cmpi eq, %get3A_215, %get3A_177 : i32
    %jit3A_217 = arith.constant 10 : i32
    %select_n3A_218 = arith.select %eq3A_216, %jit3A_217, %select_n3A_213 : i32
    %get3A_219 = arith.constant 11 : index
    %get3A_220 = memref.load %arg1[%get3A_219] : memref<16xi32, #tpu.memory_space<smem>>
    %eq3A_221 = arith.cmpi eq, %get3A_220, %get3A_177 : i32
    %jit3A_222 = arith.constant 11 : i32
    %select_n3A_223 = arith.select %eq3A_221, %jit3A_222, %select_n3A_218 : i32
    %get3A_224 = arith.constant 12 : index
    %get3A_225 = memref.load %arg1[%get3A_224] : memref<16xi32, #tpu.memory_space<smem>>
    %eq3A_226 = arith.cmpi eq, %get3A_225, %get3A_177 : i32
    %jit3A_227 = arith.constant 12 : i32
    %select_n3A_228 = arith.select %eq3A_226, %jit3A_227, %select_n3A_223 : i32
    %get3A_229 = arith.constant 13 : index
    %get3A_230 = memref.load %arg1[%get3A_229] : memref<16xi32, #tpu.memory_space<smem>>
    %eq3A_231 = arith.cmpi eq, %get3A_230, %get3A_177 : i32
    %jit3A_232 = arith.constant 13 : i32
    %select_n3A_233 = arith.select %eq3A_231, %jit3A_232, %select_n3A_228 : i32
    %get3A_234 = arith.constant 14 : index
    %get3A_235 = memref.load %arg1[%get3A_234] : memref<16xi32, #tpu.memory_space<smem>>
    %eq3A_236 = arith.cmpi eq, %get3A_235, %get3A_177 : i32
    %jit3A_237 = arith.constant 14 : i32
    %select_n3A_238 = arith.select %eq3A_236, %jit3A_237, %select_n3A_233 : i32
    %get3A_239 = arith.constant 15 : index
    %get3A_240 = memref.load %arg1[%get3A_239] : memref<16xi32, #tpu.memory_space<smem>>
    %eq3A_241 = arith.cmpi eq, %get3A_240, %get3A_177 : i32
    %jit3A_242 = arith.constant 15 : i32
    %select_n3A_243 = arith.select %eq3A_241, %jit3A_242, %select_n3A_238 : i32
    %get3A_244 = arith.constant 0 : index
    %get3A_245 = arith.index_cast %select_n3A_243 : i32 to index
    %get3A_246 = arith.constant 0 : index
    %get3A_247 = vector.load %arg2[%get3A_244, %get3A_245, %get3A_246] : memref<1x16x128xf32, #tpu.memory_space<vmem>>, vector<1x1x128xf32>
    %get3A_248 = vector.shape_cast %get3A_247 : vector<1x1x128xf32> to vector<1x128xf32>
    %swap3A_249 = arith.constant 0 : index
    %swap3A_250 = arith.index_cast %get3A_177 : i32 to index
    %swap3A_251 = arith.constant 0 : index
    %swap3A_252 = vector.load %arg4[%swap3A_249, %swap3A_250, %swap3A_251] : memref<1x4096x128xf32, #tpu.memory_space<vmem>>, vector<1x1x128xf32>
    %swap3A_253 = vector.shape_cast %swap3A_252 : vector<1x1x128xf32> to vector<1x128xf32>
    %swap3A_254 = vector.shape_cast %get3A_248 : vector<1x128xf32> to vector<1x1x128xf32>
    tpu.vector_store %arg4[%swap3A_249, %swap3A_250, %swap3A_251], %swap3A_254 {strides = array<i32>} : memref<1x4096x128xf32, #tpu.memory_space<vmem>>, vector<1x1x128xf32>,
    %get3A_255 = arith.constant 3 : index
    %get3A_256 = memref.load %arg1[%get3A_255] : memref<16xi32, #tpu.memory_space<smem>>
    %get3A_257 = arith.constant 4 : index
    %get3A_258 = memref.load %arg1[%get3A_257] : memref<16xi32, #tpu.memory_space<smem>>
    %eq3A_259 = arith.cmpi eq, %get3A_258, %get3A_256 : i32
    %jit3A_260 = arith.constant 4 : i32
    %jit3A_261 = arith.constant 3 : i32
    %select_n3A_262 = arith.select %eq3A_259, %jit3A_260, %jit3A_261 : i32
    %get3A_263 = arith.constant 5 : index
    %get3A_264 = memref.load %arg1[%get3A_263] : memref<16xi32, #tpu.memory_space<smem>>
    %eq3A_265 = arith.cmpi eq, %get3A_264, %get3A_256 : i32
    %jit3A_266 = arith.constant 5 : i32
    %select_n3A_267 = arith.select %eq3A_265, %jit3A_266, %select_n3A_262 : i32
    %get3A_268 = arith.constant 6 : index
    %get3A_269 = memref.load %arg1[%get3A_268] : memref<16xi32, #tpu.memory_space<smem>>
    %eq3A_270 = arith.cmpi eq, %get3A_269, %get3A_256 : i32
    %jit3A_271 = arith.constant 6 : i32
    %select_n3A_272 = arith.select %eq3A_270, %jit3A_271, %select_n3A_267 : i32
    %get3A_273 = arith.constant 7 : index
    %get3A_274 = memref.load %arg1[%get3A_273] : memref<16xi32, #tpu.memory_space<smem>>
    %eq3A_275 = arith.cmpi eq, %get3A_274, %get3A_256 : i32
    %jit3A_276 = arith.constant 7 : i32
    %select_n3A_277 = arith.select %eq3A_275, %jit3A_276, %select_n3A_272 : i32
    %get3A_278 = arith.constant 8 : index
    %get3A_279 = memref.load %arg1[%get3A_278] : memref<16xi32, #tpu.memory_space<smem>>
    %eq3A_280 = arith.cmpi eq, %get3A_279, %get3A_256 : i32
    %jit3A_281 = arith.constant 8 : i32
    %select_n3A_282 = arith.select %eq3A_280, %jit3A_281, %select_n3A_277 : i32
    %get3A_283 = arith.constant 9 : index
    %get3A_284 = memref.load %arg1[%get3A_283] : memref<16xi32, #tpu.memory_space<smem>>
    %eq3A_285 = arith.cmpi eq, %get3A_284, %get3A_256 : i32
    %jit3A_286 = arith.constant 9 : i32
    %select_n3A_287 = arith.select %eq3A_285, %jit3A_286, %select_n3A_282 : i32
    %get3A_288 = arith.constant 10 : index
    %get3A_289 = memref.load %arg1[%get3A_288] : memref<16xi32, #tpu.memory_space<smem>>
    %eq3A_290 = arith.cmpi eq, %get3A_289, %get3A_256 : i32
    %jit3A_291 = arith.constant 10 : i32
    %select_n3A_292 = arith.select %eq3A_290, %jit3A_291, %select_n3A_287 : i32
    %get3A_293 = arith.constant 11 : index
    %get3A_294 = memref.load %arg1[%get3A_293] : memref<16xi32, #tpu.memory_space<smem>>
    %eq3A_295 = arith.cmpi eq, %get3A_294, %get3A_256 : i32
    %jit3A_296 = arith.constant 11 : i32
    %select_n3A_297 = arith.select %eq3A_295, %jit3A_296, %select_n3A_292 : i32
    %get3A_298 = arith.constant 12 : index
    %get3A_299 = memref.load %arg1[%get3A_298] : memref<16xi32, #tpu.memory_space<smem>>
    %eq3A_300 = arith.cmpi eq, %get3A_299, %get3A_256 : i32
    %jit3A_301 = arith.constant 12 : i32
    %select_n3A_302 = arith.select %eq3A_300, %jit3A_301, %select_n3A_297 : i32
    %get3A_303 = arith.constant 13 : index
    %get3A_304 = memref.load %arg1[%get3A_303] : memref<16xi32, #tpu.memory_space<smem>>
    %eq3A_305 = arith.cmpi eq, %get3A_304, %get3A_256 : i32
    %jit3A_306 = arith.constant 13 : i32
    %select_n3A_307 = arith.select %eq3A_305, %jit3A_306, %select_n3A_302 : i32
    %get3A_308 = arith.constant 14 : index
    %get3A_309 = memref.load %arg1[%get3A_308] : memref<16xi32, #tpu.memory_space<smem>>
    %eq3A_310 = arith.cmpi eq, %get3A_309, %get3A_256 : i32
    %jit3A_311 = arith.constant 14 : i32
    %select_n3A_312 = arith.select %eq3A_310, %jit3A_311, %select_n3A_307 : i32
    %get3A_313 = arith.constant 15 : index
    %get3A_314 = memref.load %arg1[%get3A_313] : memref<16xi32, #tpu.memory_space<smem>>
    %eq3A_315 = arith.cmpi eq, %get3A_314, %get3A_256 : i32
    %jit3A_316 = arith.constant 15 : i32
    %select_n3A_317 = arith.select %eq3A_315, %jit3A_316, %select_n3A_312 : i32
    %get3A_318 = arith.constant 0 : index
    %get3A_319 = arith.index_cast %select_n3A_317 : i32 to index
    %get3A_320 = arith.constant 0 : index
    %get3A_321 = vector.load %arg2[%get3A_318, %get3A_319, %get3A_320] : memref<1x16x128xf32, #tpu.memory_space<vmem>>, vector<1x1x128xf32>
    %get3A_322 = vector.shape_cast %get3A_321 : vector<1x1x128xf32> to vector<1x128xf32>
    %swap3A_323 = arith.constant 0 : index
    %swap3A_324 = arith.index_cast %get3A_256 : i32 to index
    %swap3A_325 = arith.constant 0 : index
    %swap3A_326 = vector.load %arg4[%swap3A_323, %swap3A_324, %swap3A_325] : memref<1x4096x128xf32, #tpu.memory_space<vmem>>, vector<1x1x128xf32>
    %swap3A_327 = vector.shape_cast %swap3A_326 : vector<1x1x128xf32> to vector<1x128xf32>
    %swap3A_328 = vector.shape_cast %get3A_322 : vector<1x128xf32> to vector<1x1x128xf32>
    tpu.vector_store %arg4[%swap3A_323, %swap3A_324, %swap3A_325], %swap3A_328 {strides = array<i32>} : memref<1x4096x128xf32, #tpu.memory_space<vmem>>, vector<1x1x128xf32>,
    %get3A_329 = arith.constant 4 : index
    %get3A_330 = memref.load %arg1[%get3A_329] : memref<16xi32, #tpu.memory_space<smem>>
    %get3A_331 = arith.constant 5 : index
    %get3A_332 = memref.load %arg1[%get3A_331] : memref<16xi32, #tpu.memory_space<smem>>
    %eq3A_333 = arith.cmpi eq, %get3A_332, %get3A_330 : i32
    %jit3A_334 = arith.constant 5 : i32
    %jit3A_335 = arith.constant 4 : i32
    %select_n3A_336 = arith.select %eq3A_333, %jit3A_334, %jit3A_335 : i32
    %get3A_337 = arith.constant 6 : index
    %get3A_338 = memref.load %arg1[%get3A_337] : memref<16xi32, #tpu.memory_space<smem>>
    %eq3A_339 = arith.cmpi eq, %get3A_338, %get3A_330 : i32
    %jit3A_340 = arith.constant 6 : i32
    %select_n3A_341 = arith.select %eq3A_339, %jit3A_340, %select_n3A_336 : i32
    %get3A_342 = arith.constant 7 : index
    %get3A_343 = memref.load %arg1[%get3A_342] : memref<16xi32, #tpu.memory_space<smem>>
    %eq3A_344 = arith.cmpi eq, %get3A_343, %get3A_330 : i32
    %jit3A_345 = arith.constant 7 : i32
    %select_n3A_346 = arith.select %eq3A_344, %jit3A_345, %select_n3A_341 : i32
    %get3A_347 = arith.constant 8 : index
    %get3A_348 = memref.load %arg1[%get3A_347] : memref<16xi32, #tpu.memory_space<smem>>
    %eq3A_349 = arith.cmpi eq, %get3A_348, %get3A_330 : i32
    %jit3A_350 = arith.constant 8 : i32
    %select_n3A_351 = arith.select %eq3A_349, %jit3A_350, %select_n3A_346 : i32
    %get3A_352 = arith.constant 9 : index
    %get3A_353 = memref.load %arg1[%get3A_352] : memref<16xi32, #tpu.memory_space<smem>>
    %eq3A_354 = arith.cmpi eq, %get3A_353, %get3A_330 : i32
    %jit3A_355 = arith.constant 9 : i32
    %select_n3A_356 = arith.select %eq3A_354, %jit3A_355, %select_n3A_351 : i32
    %get3A_357 = arith.constant 10 : index
    %get3A_358 = memref.load %arg1[%get3A_357] : memref<16xi32, #tpu.memory_space<smem>>
    %eq3A_359 = arith.cmpi eq, %get3A_358, %get3A_330 : i32
    %jit3A_360 = arith.constant 10 : i32
    %select_n3A_361 = arith.select %eq3A_359, %jit3A_360, %select_n3A_356 : i32
    %get3A_362 = arith.constant 11 : index
    %get3A_363 = memref.load %arg1[%get3A_362] : memref<16xi32, #tpu.memory_space<smem>>
    %eq3A_364 = arith.cmpi eq, %get3A_363, %get3A_330 : i32
    %jit3A_365 = arith.constant 11 : i32
    %select_n3A_366 = arith.select %eq3A_364, %jit3A_365, %select_n3A_361 : i32
    %get3A_367 = arith.constant 12 : index
    %get3A_368 = memref.load %arg1[%get3A_367] : memref<16xi32, #tpu.memory_space<smem>>
    %eq3A_369 = arith.cmpi eq, %get3A_368, %get3A_330 : i32
    %jit3A_370 = arith.constant 12 : i32
    %select_n3A_371 = arith.select %eq3A_369, %jit3A_370, %select_n3A_366 : i32
    %get3A_372 = arith.constant 13 : index
    %get3A_373 = memref.load %arg1[%get3A_372] : memref<16xi32, #tpu.memory_space<smem>>
    %eq3A_374 = arith.cmpi eq, %get3A_373, %get3A_330 : i32
    %jit3A_375 = arith.constant 13 : i32
    %select_n3A_376 = arith.select %eq3A_374, %jit3A_375, %select_n3A_371 : i32
    %get3A_377 = arith.constant 14 : index
    %get3A_378 = memref.load %arg1[%get3A_377] : memref<16xi32, #tpu.memory_space<smem>>
    %eq3A_379 = arith.cmpi eq, %get3A_378, %get3A_330 : i32
    %jit3A_380 = arith.constant 14 : i32
    %select_n3A_381 = arith.select %eq3A_379, %jit3A_380, %select_n3A_376 : i32
    %get3A_382 = arith.constant 15 : index
    %get3A_383 = memref.load %arg1[%get3A_382] : memref<16xi32, #tpu.memory_space<smem>>
    %eq3A_384 = arith.cmpi eq, %get3A_383, %get3A_330 : i32
    %jit3A_385 = arith.constant 15 : i32
    %select_n3A_386 = arith.select %eq3A_384, %jit3A_385, %select_n3A_381 : i32
    %get3A_387 = arith.constant 0 : index
    %get3A_388 = arith.index_cast %select_n3A_386 : i32 to index
    %get3A_389 = arith.constant 0 : index
    %get3A_390 = vector.load %arg2[%get3A_387, %get3A_388, %get3A_389] : memref<1x16x128xf32, #tpu.memory_space<vmem>>, vector<1x1x128xf32>
    %get3A_391 = vector.shape_cast %get3A_390 : vector<1x1x128xf32> to vector<1x128xf32>
    %swap3A_392 = arith.constant 0 : index
    %swap3A_393 = arith.index_cast %get3A_330 : i32 to index
    %swap3A_394 = arith.constant 0 : index
    %swap3A_395 = vector.load %arg4[%swap3A_392, %swap3A_393, %swap3A_394] : memref<1x4096x128xf32, #tpu.memory_space<vmem>>, vector<1x1x128xf32>
    %swap3A_396 = vector.shape_cast %swap3A_395 : vector<1x1x128xf32> to vector<1x128xf32>
    %swap3A_397 = vector.shape_cast %get3A_391 : vector<1x128xf32> to vector<1x1x128xf32>
    tpu.vector_store %arg4[%swap3A_392, %swap3A_393, %swap3A_394], %swap3A_397 {strides = array<i32>} : memref<1x4096x128xf32, #tpu.memory_space<vmem>>, vector<1x1x128xf32>,
    %get3A_398 = arith.constant 5 : index
    %get3A_399 = memref.load %arg1[%get3A_398] : memref<16xi32, #tpu.memory_space<smem>>
    %get3A_400 = arith.constant 6 : index
    %get3A_401 = memref.load %arg1[%get3A_400] : memref<16xi32, #tpu.memory_space<smem>>
    %eq3A_402 = arith.cmpi eq, %get3A_401, %get3A_399 : i32
    %jit3A_403 = arith.constant 6 : i32
    %jit3A_404 = arith.constant 5 : i32
    %select_n3A_405 = arith.select %eq3A_402, %jit3A_403, %jit3A_404 : i32
    %get3A_406 = arith.constant 7 : index
    %get3A_407 = memref.load %arg1[%get3A_406] : memref<16xi32, #tpu.memory_space<smem>>
    %eq3A_408 = arith.cmpi eq, %get3A_407, %get3A_399 : i32
    %jit3A_409 = arith.constant 7 : i32
    %select_n3A_410 = arith.select %eq3A_408, %jit3A_409, %select_n3A_405 : i32
    %get3A_411 = arith.constant 8 : index
    %get3A_412 = memref.load %arg1[%get3A_411] : memref<16xi32, #tpu.memory_space<smem>>
    %eq3A_413 = arith.cmpi eq, %get3A_412, %get3A_399 : i32
    %jit3A_414 = arith.constant 8 : i32
    %select_n3A_415 = arith.select %eq3A_413, %jit3A_414, %select_n3A_410 : i32
    %get3A_416 = arith.constant 9 : index
    %get3A_417 = memref.load %arg1[%get3A_416] : memref<16xi32, #tpu.memory_space<smem>>
    %eq3A_418 = arith.cmpi eq, %get3A_417, %get3A_399 : i32
    %jit3A_419 = arith.constant 9 : i32
    %select_n3A_420 = arith.select %eq3A_418, %jit3A_419, %select_n3A_415 : i32
    %get3A_421 = arith.constant 10 : index
    %get3A_422 = memref.load %arg1[%get3A_421] : memref<16xi32, #tpu.memory_space<smem>>
    %eq3A_423 = arith.cmpi eq, %get3A_422, %get3A_399 : i32
    %jit3A_424 = arith.constant 10 : i32
    %select_n3A_425 = arith.select %eq3A_423, %jit3A_424, %select_n3A_420 : i32
    %get3A_426 = arith.constant 11 : index
    %get3A_427 = memref.load %arg1[%get3A_426] : memref<16xi32, #tpu.memory_space<smem>>
    %eq3A_428 = arith.cmpi eq, %get3A_427, %get3A_399 : i32
    %jit3A_429 = arith.constant 11 : i32
    %select_n3A_430 = arith.select %eq3A_428, %jit3A_429, %select_n3A_425 : i32
    %get3A_431 = arith.constant 12 : index
    %get3A_432 = memref.load %arg1[%get3A_431] : memref<16xi32, #tpu.memory_space<smem>>
    %eq3A_433 = arith.cmpi eq, %get3A_432, %get3A_399 : i32
    %jit3A_434 = arith.constant 12 : i32
    %select_n3A_435 = arith.select %eq3A_433, %jit3A_434, %select_n3A_430 : i32
    %get3A_436 = arith.constant 13 : index
    %get3A_437 = memref.load %arg1[%get3A_436] : memref<16xi32, #tpu.memory_space<smem>>
    %eq3A_438 = arith.cmpi eq, %get3A_437, %get3A_399 : i32
    %jit3A_439 = arith.constant 13 : i32
    %select_n3A_440 = arith.select %eq3A_438, %jit3A_439, %select_n3A_435 : i32
    %get3A_441 = arith.constant 14 : index
    %get3A_442 = memref.load %arg1[%get3A_441] : memref<16xi32, #tpu.memory_space<smem>>
    %eq3A_443 = arith.cmpi eq, %get3A_442, %get3A_399 : i32
    %jit3A_444 = arith.constant 14 : i32
    %select_n3A_445 = arith.select %eq3A_443, %jit3A_444, %select_n3A_440 : i32
    %get3A_446 = arith.constant 15 : index
    %get3A_447 = memref.load %arg1[%get3A_446] : memref<16xi32, #tpu.memory_space<smem>>
    %eq3A_448 = arith.cmpi eq, %get3A_447, %get3A_399 : i32
    %jit3A_449 = arith.constant 15 : i32
    %select_n3A_450 = arith.select %eq3A_448, %jit3A_449, %select_n3A_445 : i32
    %get3A_451 = arith.constant 0 : index
    %get3A_452 = arith.index_cast %select_n3A_450 : i32 to index
    %get3A_453 = arith.constant 0 : index
    %get3A_454 = vector.load %arg2[%get3A_451, %get3A_452, %get3A_453] : memref<1x16x128xf32, #tpu.memory_space<vmem>>, vector<1x1x128xf32>
    %get3A_455 = vector.shape_cast %get3A_454 : vector<1x1x128xf32> to vector<1x128xf32>
    %swap3A_456 = arith.constant 0 : index
    %swap3A_457 = arith.index_cast %get3A_399 : i32 to index
    %swap3A_458 = arith.constant 0 : index
    %swap3A_459 = vector.load %arg4[%swap3A_456, %swap3A_457, %swap3A_458] : memref<1x4096x128xf32, #tpu.memory_space<vmem>>, vector<1x1x128xf32>
    %swap3A_460 = vector.shape_cast %swap3A_459 : vector<1x1x128xf32> to vector<1x128xf32>
    %swap3A_461 = vector.shape_cast %get3A_455 : vector<1x128xf32> to vector<1x1x128xf32>
    tpu.vector_store %arg4[%swap3A_456, %swap3A_457, %swap3A_458], %swap3A_461 {strides = array<i32>} : memref<1x4096x128xf32, #tpu.memory_space<vmem>>, vector<1x1x128xf32>,
    %get3A_462 = arith.constant 6 : index
    %get3A_463 = memref.load %arg1[%get3A_462] : memref<16xi32, #tpu.memory_space<smem>>
    %get3A_464 = arith.constant 7 : index
    %get3A_465 = memref.load %arg1[%get3A_464] : memref<16xi32, #tpu.memory_space<smem>>
    %eq3A_466 = arith.cmpi eq, %get3A_465, %get3A_463 : i32
    %jit3A_467 = arith.constant 7 : i32
    %jit3A_468 = arith.constant 6 : i32
    %select_n3A_469 = arith.select %eq3A_466, %jit3A_467, %jit3A_468 : i32
    %get3A_470 = arith.constant 8 : index
    %get3A_471 = memref.load %arg1[%get3A_470] : memref<16xi32, #tpu.memory_space<smem>>
    %eq3A_472 = arith.cmpi eq, %get3A_471, %get3A_463 : i32
    %jit3A_473 = arith.constant 8 : i32
    %select_n3A_474 = arith.select %eq3A_472, %jit3A_473, %select_n3A_469 : i32
    %get3A_475 = arith.constant 9 : index
    %get3A_476 = memref.load %arg1[%get3A_475] : memref<16xi32, #tpu.memory_space<smem>>
    %eq3A_477 = arith.cmpi eq, %get3A_476, %get3A_463 : i32
    %jit3A_478 = arith.constant 9 : i32
    %select_n3A_479 = arith.select %eq3A_477, %jit3A_478, %select_n3A_474 : i32
    %get3A_480 = arith.constant 10 : index
    %get3A_481 = memref.load %arg1[%get3A_480] : memref<16xi32, #tpu.memory_space<smem>>
    %eq3A_482 = arith.cmpi eq, %get3A_481, %get3A_463 : i32
    %jit3A_483 = arith.constant 10 : i32
    %select_n3A_484 = arith.select %eq3A_482, %jit3A_483, %select_n3A_479 : i32
    %get3A_485 = arith.constant 11 : index
    %get3A_486 = memref.load %arg1[%get3A_485] : memref<16xi32, #tpu.memory_space<smem>>
    %eq3A_487 = arith.cmpi eq, %get3A_486, %get3A_463 : i32
    %jit3A_488 = arith.constant 11 : i32
    %select_n3A_489 = arith.select %eq3A_487, %jit3A_488, %select_n3A_484 : i32
    %get3A_490 = arith.constant 12 : index
    %get3A_491 = memref.load %arg1[%get3A_490] : memref<16xi32, #tpu.memory_space<smem>>
    %eq3A_492 = arith.cmpi eq, %get3A_491, %get3A_463 : i32
    %jit3A_493 = arith.constant 12 : i32
    %select_n3A_494 = arith.select %eq3A_492, %jit3A_493, %select_n3A_489 : i32
    %get3A_495 = arith.constant 13 : index
    %get3A_496 = memref.load %arg1[%get3A_495] : memref<16xi32, #tpu.memory_space<smem>>
    %eq3A_497 = arith.cmpi eq, %get3A_496, %get3A_463 : i32
    %jit3A_498 = arith.constant 13 : i32
    %select_n3A_499 = arith.select %eq3A_497, %jit3A_498, %select_n3A_494 : i32
    %get3A_500 = arith.constant 14 : index
    %get3A_501 = memref.load %arg1[%get3A_500] : memref<16xi32, #tpu.memory_space<smem>>
    %eq3A_502 = arith.cmpi eq, %get3A_501, %get3A_463 : i32
    %jit3A_503 = arith.constant 14 : i32
    %select_n3A_504 = arith.select %eq3A_502, %jit3A_503, %select_n3A_499 : i32
    %get3A_505 = arith.constant 15 : index
    %get3A_506 = memref.load %arg1[%get3A_505] : memref<16xi32, #tpu.memory_space<smem>>
    %eq3A_507 = arith.cmpi eq, %get3A_506, %get3A_463 : i32
    %jit3A_508 = arith.constant 15 : i32
    %select_n3A_509 = arith.select %eq3A_507, %jit3A_508, %select_n3A_504 : i32
    %get3A_510 = arith.constant 0 : index
    %get3A_511 = arith.index_cast %select_n3A_509 : i32 to index
    %get3A_512 = arith.constant 0 : index
    %get3A_513 = vector.load %arg2[%get3A_510, %get3A_511, %get3A_512] : memref<1x16x128xf32, #tpu.memory_space<vmem>>, vector<1x1x128xf32>
    %get3A_514 = vector.shape_cast %get3A_513 : vector<1x1x128xf32> to vector<1x128xf32>
    %swap3A_515 = arith.constant 0 : index
    %swap3A_516 = arith.index_cast %get3A_463 : i32 to index
    %swap3A_517 = arith.constant 0 : index
    %swap3A_518 = vector.load %arg4[%swap3A_515, %swap3A_516, %swap3A_517] : memref<1x4096x128xf32, #tpu.memory_space<vmem>>, vector<1x1x128xf32>
    %swap3A_519 = vector.shape_cast %swap3A_518 : vector<1x1x128xf32> to vector<1x128xf32>
    %swap3A_520 = vector.shape_cast %get3A_514 : vector<1x128xf32> to vector<1x1x128xf32>
    tpu.vector_store %arg4[%swap3A_515, %swap3A_516, %swap3A_517], %swap3A_520 {strides = array<i32>} : memref<1x4096x128xf32, #tpu.memory_space<vmem>>, vector<1x1x128xf32>,
    %get3A_521 = arith.constant 7 : index
    %get3A_522 = memref.load %arg1[%get3A_521] : memref<16xi32, #tpu.memory_space<smem>>
    %get3A_523 = arith.constant 8 : index
    %get3A_524 = memref.load %arg1[%get3A_523] : memref<16xi32, #tpu.memory_space<smem>>
    %eq3A_525 = arith.cmpi eq, %get3A_524, %get3A_522 : i32
    %jit3A_526 = arith.constant 8 : i32
    %jit3A_527 = arith.constant 7 : i32
    %select_n3A_528 = arith.select %eq3A_525, %jit3A_526, %jit3A_527 : i32
    %get3A_529 = arith.constant 9 : index
    %get3A_530 = memref.load %arg1[%get3A_529] : memref<16xi32, #tpu.memory_space<smem>>
    %eq3A_531 = arith.cmpi eq, %get3A_530, %get3A_522 : i32
    %jit3A_532 = arith.constant 9 : i32
    %select_n3A_533 = arith.select %eq3A_531, %jit3A_532, %select_n3A_528 : i32
    %get3A_534 = arith.constant 10 : index
    %get3A_535 = memref.load %arg1[%get3A_534] : memref<16xi32, #tpu.memory_space<smem>>
    %eq3A_536 = arith.cmpi eq, %get3A_535, %get3A_522 : i32
    %jit3A_537 = arith.constant 10 : i32
    %select_n3A_538 = arith.select %eq3A_536, %jit3A_537, %select_n3A_533 : i32
    %get3A_539 = arith.constant 11 : index
    %get3A_540 = memref.load %arg1[%get3A_539] : memref<16xi32, #tpu.memory_space<smem>>
    %eq3A_541 = arith.cmpi eq, %get3A_540, %get3A_522 : i32
    %jit3A_542 = arith.constant 11 : i32
    %select_n3A_543 = arith.select %eq3A_541, %jit3A_542, %select_n3A_538 : i32
    %get3A_544 = arith.constant 12 : index
    %get3A_545 = memref.load %arg1[%get3A_544] : memref<16xi32, #tpu.memory_space<smem>>
    %eq3A_546 = arith.cmpi eq, %get3A_545, %get3A_522 : i32
    %jit3A_547 = arith.constant 12 : i32
    %select_n3A_548 = arith.select %eq3A_546, %jit3A_547, %select_n3A_543 : i32
    %get3A_549 = arith.constant 13 : index
    %get3A_550 = memref.load %arg1[%get3A_549] : memref<16xi32, #tpu.memory_space<smem>>
    %eq3A_551 = arith.cmpi eq, %get3A_550, %get3A_522 : i32
    %jit3A_552 = arith.constant 13 : i32
    %select_n3A_553 = arith.select %eq3A_551, %jit3A_552, %select_n3A_548 : i32
    %get3A_554 = arith.constant 14 : index
    %get3A_555 = memref.load %arg1[%get3A_554] : memref<16xi32, #tpu.memory_space<smem>>
    %eq3A_556 = arith.cmpi eq, %get3A_555, %get3A_522 : i32
    %jit3A_557 = arith.constant 14 : i32
    %select_n3A_558 = arith.select %eq3A_556, %jit3A_557, %select_n3A_553 : i32
    %get3A_559 = arith.constant 15 : index
    %get3A_560 = memref.load %arg1[%get3A_559] : memref<16xi32, #tpu.memory_space<smem>>
    %eq3A_561 = arith.cmpi eq, %get3A_560, %get3A_522 : i32
    %jit3A_562 = arith.constant 15 : i32
    %select_n3A_563 = arith.select %eq3A_561, %jit3A_562, %select_n3A_558 : i32
    %get3A_564 = arith.constant 0 : index
    %get3A_565 = arith.index_cast %select_n3A_563 : i32 to index
    %get3A_566 = arith.constant 0 : index
    %get3A_567 = vector.load %arg2[%get3A_564, %get3A_565, %get3A_566] : memref<1x16x128xf32, #tpu.memory_space<vmem>>, vector<1x1x128xf32>
    %get3A_568 = vector.shape_cast %get3A_567 : vector<1x1x128xf32> to vector<1x128xf32>
    %swap3A_569 = arith.constant 0 : index
    %swap3A_570 = arith.index_cast %get3A_522 : i32 to index
    %swap3A_571 = arith.constant 0 : index
    %swap3A_572 = vector.load %arg4[%swap3A_569, %swap3A_570, %swap3A_571] : memref<1x4096x128xf32, #tpu.memory_space<vmem>>, vector<1x1x128xf32>
    %swap3A_573 = vector.shape_cast %swap3A_572 : vector<1x1x128xf32> to vector<1x128xf32>
    %swap3A_574 = vector.shape_cast %get3A_568 : vector<1x128xf32> to vector<1x1x128xf32>
    tpu.vector_store %arg4[%swap3A_569, %swap3A_570, %swap3A_571], %swap3A_574 {strides = array<i32>} : memref<1x4096x128xf32, #tpu.memory_space<vmem>>, vector<1x1x128xf32>,
    %get3A_575 = arith.constant 8 : index
    %get3A_576 = memref.load %arg1[%get3A_575] : memref<16xi32, #tpu.memory_space<smem>>
    %get3A_577 = arith.constant 9 : index
    %get3A_578 = memref.load %arg1[%get3A_577] : memref<16xi32, #tpu.memory_space<smem>>
    %eq3A_579 = arith.cmpi eq, %get3A_578, %get3A_576 : i32
    %jit3A_580 = arith.constant 9 : i32
    %jit3A_581 = arith.constant 8 : i32
    %select_n3A_582 = arith.select %eq3A_579, %jit3A_580, %jit3A_581 : i32
    %get3A_583 = arith.constant 10 : index
    %get3A_584 = memref.load %arg1[%get3A_583] : memref<16xi32, #tpu.memory_space<smem>>
    %eq3A_585 = arith.cmpi eq, %get3A_584, %get3A_576 : i32
    %jit3A_586 = arith.constant 10 : i32
    %select_n3A_587 = arith.select %eq3A_585, %jit3A_586, %select_n3A_582 : i32
    %get3A_588 = arith.constant 11 : index
    %get3A_589 = memref.load %arg1[%get3A_588] : memref<16xi32, #tpu.memory_space<smem>>
    %eq3A_590 = arith.cmpi eq, %get3A_589, %get3A_576 : i32
    %jit3A_591 = arith.constant 11 : i32
    %select_n3A_592 = arith.select %eq3A_590, %jit3A_591, %select_n3A_587 : i32
    %get3A_593 = arith.constant 12 : index
    %get3A_594 = memref.load %arg1[%get3A_593] : memref<16xi32, #tpu.memory_space<smem>>
    %eq3A_595 = arith.cmpi eq, %get3A_594, %get3A_576 : i32
    %jit3A_596 = arith.constant 12 : i32
    %select_n3A_597 = arith.select %eq3A_595, %jit3A_596, %select_n3A_592 : i32
    %get3A_598 = arith.constant 13 : index
    %get3A_599 = memref.load %arg1[%get3A_598] : memref<16xi32, #tpu.memory_space<smem>>
    %eq3A_600 = arith.cmpi eq, %get3A_599, %get3A_576 : i32
    %jit3A_601 = arith.constant 13 : i32
    %select_n3A_602 = arith.select %eq3A_600, %jit3A_601, %select_n3A_597 : i32
    %get3A_603 = arith.constant 14 : index
    %get3A_604 = memref.load %arg1[%get3A_603] : memref<16xi32, #tpu.memory_space<smem>>
    %eq3A_605 = arith.cmpi eq, %get3A_604, %get3A_576 : i32
    %jit3A_606 = arith.constant 14 : i32
    %select_n3A_607 = arith.select %eq3A_605, %jit3A_606, %select_n3A_602 : i32
    %get3A_608 = arith.constant 15 : index
    %get3A_609 = memref.load %arg1[%get3A_608] : memref<16xi32, #tpu.memory_space<smem>>
    %eq3A_610 = arith.cmpi eq, %get3A_609, %get3A_576 : i32
    %jit3A_611 = arith.constant 15 : i32
    %select_n3A_612 = arith.select %eq3A_610, %jit3A_611, %select_n3A_607 : i32
    %get3A_613 = arith.constant 0 : index
    %get3A_614 = arith.index_cast %select_n3A_612 : i32 to index
    %get3A_615 = arith.constant 0 : index
    %get3A_616 = vector.load %arg2[%get3A_613, %get3A_614, %get3A_615] : memref<1x16x128xf32, #tpu.memory_space<vmem>>, vector<1x1x128xf32>
    %get3A_617 = vector.shape_cast %get3A_616 : vector<1x1x128xf32> to vector<1x128xf32>
    %swap3A_618 = arith.constant 0 : index
    %swap3A_619 = arith.index_cast %get3A_576 : i32 to index
    %swap3A_620 = arith.constant 0 : index
    %swap3A_621 = vector.load %arg4[%swap3A_618, %swap3A_619, %swap3A_620] : memref<1x4096x128xf32, #tpu.memory_space<vmem>>, vector<1x1x128xf32>
    %swap3A_622 = vector.shape_cast %swap3A_621 : vector<1x1x128xf32> to vector<1x128xf32>
    %swap3A_623 = vector.shape_cast %get3A_617 : vector<1x128xf32> to vector<1x1x128xf32>
    tpu.vector_store %arg4[%swap3A_618, %swap3A_619, %swap3A_620], %swap3A_623 {strides = array<i32>} : memref<1x4096x128xf32, #tpu.memory_space<vmem>>, vector<1x1x128xf32>,
    %get3A_624 = arith.constant 9 : index
    %get3A_625 = memref.load %arg1[%get3A_624] : memref<16xi32, #tpu.memory_space<smem>>
    %get3A_626 = arith.constant 10 : index
    %get3A_627 = memref.load %arg1[%get3A_626] : memref<16xi32, #tpu.memory_space<smem>>
    %eq3A_628 = arith.cmpi eq, %get3A_627, %get3A_625 : i32
    %jit3A_629 = arith.constant 10 : i32
    %jit3A_630 = arith.constant 9 : i32
    %select_n3A_631 = arith.select %eq3A_628, %jit3A_629, %jit3A_630 : i32
    %get3A_632 = arith.constant 11 : index
    %get3A_633 = memref.load %arg1[%get3A_632] : memref<16xi32, #tpu.memory_space<smem>>
    %eq3A_634 = arith.cmpi eq, %get3A_633, %get3A_625 : i32
    %jit3A_635 = arith.constant 11 : i32
    %select_n3A_636 = arith.select %eq3A_634, %jit3A_635, %select_n3A_631 : i32
    %get3A_637 = arith.constant 12 : index
    %get3A_638 = memref.load %arg1[%get3A_637] : memref<16xi32, #tpu.memory_space<smem>>
    %eq3A_639 = arith.cmpi eq, %get3A_638, %get3A_625 : i32
    %jit3A_640 = arith.constant 12 : i32
    %select_n3A_641 = arith.select %eq3A_639, %jit3A_640, %select_n3A_636 : i32
    %get3A_642 = arith.constant 13 : index
    %get3A_643 = memref.load %arg1[%get3A_642] : memref<16xi32, #tpu.memory_space<smem>>
    %eq3A_644 = arith.cmpi eq, %get3A_643, %get3A_625 : i32
    %jit3A_645 = arith.constant 13 : i32
    %select_n3A_646 = arith.select %eq3A_644, %jit3A_645, %select_n3A_641 : i32
    %get3A_647 = arith.constant 14 : index
    %get3A_648 = memref.load %arg1[%get3A_647] : memref<16xi32, #tpu.memory_space<smem>>
    %eq3A_649 = arith.cmpi eq, %get3A_648, %get3A_625 : i32
    %jit3A_650 = arith.constant 14 : i32
    %select_n3A_651 = arith.select %eq3A_649, %jit3A_650, %select_n3A_646 : i32
    %get3A_652 = arith.constant 15 : index
    %get3A_653 = memref.load %arg1[%get3A_652] : memref<16xi32, #tpu.memory_space<smem>>
    %eq3A_654 = arith.cmpi eq, %get3A_653, %get3A_625 : i32
    %jit3A_655 = arith.constant 15 : i32
    %select_n3A_656 = arith.select %eq3A_654, %jit3A_655, %select_n3A_651 : i32
    %get3A_657 = arith.constant 0 : index
    %get3A_658 = arith.index_cast %select_n3A_656 : i32 to index
    %get3A_659 = arith.constant 0 : index
    %get3A_660 = vector.load %arg2[%get3A_657, %get3A_658, %get3A_659] : memref<1x16x128xf32, #tpu.memory_space<vmem>>, vector<1x1x128xf32>
    %get3A_661 = vector.shape_cast %get3A_660 : vector<1x1x128xf32> to vector<1x128xf32>
    %swap3A_662 = arith.constant 0 : index
    %swap3A_663 = arith.index_cast %get3A_625 : i32 to index
    %swap3A_664 = arith.constant 0 : index
    %swap3A_665 = vector.load %arg4[%swap3A_662, %swap3A_663, %swap3A_664] : memref<1x4096x128xf32, #tpu.memory_space<vmem>>, vector<1x1x128xf32>
    %swap3A_666 = vector.shape_cast %swap3A_665 : vector<1x1x128xf32> to vector<1x128xf32>
    %swap3A_667 = vector.shape_cast %get3A_661 : vector<1x128xf32> to vector<1x1x128xf32>
    tpu.vector_store %arg4[%swap3A_662, %swap3A_663, %swap3A_664], %swap3A_667 {strides = array<i32>} : memref<1x4096x128xf32, #tpu.memory_space<vmem>>, vector<1x1x128xf32>,
    %get3A_668 = arith.constant 10 : index
    %get3A_669 = memref.load %arg1[%get3A_668] : memref<16xi32, #tpu.memory_space<smem>>
    %get3A_670 = arith.constant 11 : index
    %get3A_671 = memref.load %arg1[%get3A_670] : memref<16xi32, #tpu.memory_space<smem>>
    %eq3A_672 = arith.cmpi eq, %get3A_671, %get3A_669 : i32
    %jit3A_673 = arith.constant 11 : i32
    %jit3A_674 = arith.constant 10 : i32
    %select_n3A_675 = arith.select %eq3A_672, %jit3A_673, %jit3A_674 : i32
    %get3A_676 = arith.constant 12 : index
    %get3A_677 = memref.load %arg1[%get3A_676] : memref<16xi32, #tpu.memory_space<smem>>
    %eq3A_678 = arith.cmpi eq, %get3A_677, %get3A_669 : i32
    %jit3A_679 = arith.constant 12 : i32
    %select_n3A_680 = arith.select %eq3A_678, %jit3A_679, %select_n3A_675 : i32
    %get3A_681 = arith.constant 13 : index
    %get3A_682 = memref.load %arg1[%get3A_681] : memref<16xi32, #tpu.memory_space<smem>>
    %eq3A_683 = arith.cmpi eq, %get3A_682, %get3A_669 : i32
    %jit3A_684 = arith.constant 13 : i32
    %select_n3A_685 = arith.select %eq3A_683, %jit3A_684, %select_n3A_680 : i32
    %get3A_686 = arith.constant 14 : index
    %get3A_687 = memref.load %arg1[%get3A_686] : memref<16xi32, #tpu.memory_space<smem>>
    %eq3A_688 = arith.cmpi eq, %get3A_687, %get3A_669 : i32
    %jit3A_689 = arith.constant 14 : i32
    %select_n3A_690 = arith.select %eq3A_688, %jit3A_689, %select_n3A_685 : i32
    %get3A_691 = arith.constant 15 : index
    %get3A_692 = memref.load %arg1[%get3A_691] : memref<16xi32, #tpu.memory_space<smem>>
    %eq3A_693 = arith.cmpi eq, %get3A_692, %get3A_669 : i32
    %jit3A_694 = arith.constant 15 : i32
    %select_n3A_695 = arith.select %eq3A_693, %jit3A_694, %select_n3A_690 : i32
    %get3A_696 = arith.constant 0 : index
    %get3A_697 = arith.index_cast %select_n3A_695 : i32 to index
    %get3A_698 = arith.constant 0 : index
    %get3A_699 = vector.load %arg2[%get3A_696, %get3A_697, %get3A_698] : memref<1x16x128xf32, #tpu.memory_space<vmem>>, vector<1x1x128xf32>
    %get3A_700 = vector.shape_cast %get3A_699 : vector<1x1x128xf32> to vector<1x128xf32>
    %swap3A_701 = arith.constant 0 : index
    %swap3A_702 = arith.index_cast %get3A_669 : i32 to index
    %swap3A_703 = arith.constant 0 : index
    %swap3A_704 = vector.load %arg4[%swap3A_701, %swap3A_702, %swap3A_703] : memref<1x4096x128xf32, #tpu.memory_space<vmem>>, vector<1x1x128xf32>
    %swap3A_705 = vector.shape_cast %swap3A_704 : vector<1x1x128xf32> to vector<1x128xf32>
    %swap3A_706 = vector.shape_cast %get3A_700 : vector<1x128xf32> to vector<1x1x128xf32>
    tpu.vector_store %arg4[%swap3A_701, %swap3A_702, %swap3A_703], %swap3A_706 {strides = array<i32>} : memref<1x4096x128xf32, #tpu.memory_space<vmem>>, vector<1x1x128xf32>,
    %get3A_707 = arith.constant 11 : index
    %get3A_708 = memref.load %arg1[%get3A_707] : memref<16xi32, #tpu.memory_space<smem>>
    %get3A_709 = arith.constant 12 : index
    %get3A_710 = memref.load %arg1[%get3A_709] : memref<16xi32, #tpu.memory_space<smem>>
    %eq3A_711 = arith.cmpi eq, %get3A_710, %get3A_708 : i32
    %jit3A_712 = arith.constant 12 : i32
    %jit3A_713 = arith.constant 11 : i32
    %select_n3A_714 = arith.select %eq3A_711, %jit3A_712, %jit3A_713 : i32
    %get3A_715 = arith.constant 13 : index
    %get3A_716 = memref.load %arg1[%get3A_715] : memref<16xi32, #tpu.memory_space<smem>>
    %eq3A_717 = arith.cmpi eq, %get3A_716, %get3A_708 : i32
    %jit3A_718 = arith.constant 13 : i32
    %select_n3A_719 = arith.select %eq3A_717, %jit3A_718, %select_n3A_714 : i32
    %get3A_720 = arith.constant 14 : index
    %get3A_721 = memref.load %arg1[%get3A_720] : memref<16xi32, #tpu.memory_space<smem>>
    %eq3A_722 = arith.cmpi eq, %get3A_721, %get3A_708 : i32
    %jit3A_723 = arith.constant 14 : i32
    %select_n3A_724 = arith.select %eq3A_722, %jit3A_723, %select_n3A_719 : i32
    %get3A_725 = arith.constant 15 : index
    %get3A_726 = memref.load %arg1[%get3A_725] : memref<16xi32, #tpu.memory_space<smem>>
    %eq3A_727 = arith.cmpi eq, %get3A_726, %get3A_708 : i32
    %jit3A_728 = arith.constant 15 : i32
    %select_n3A_729 = arith.select %eq3A_727, %jit3A_728, %select_n3A_724 : i32
    %get3A_730 = arith.constant 0 : index
    %get3A_731 = arith.index_cast %select_n3A_729 : i32 to index
    %get3A_732 = arith.constant 0 : index
    %get3A_733 = vector.load %arg2[%get3A_730, %get3A_731, %get3A_732] : memref<1x16x128xf32, #tpu.memory_space<vmem>>, vector<1x1x128xf32>
    %get3A_734 = vector.shape_cast %get3A_733 : vector<1x1x128xf32> to vector<1x128xf32>
    %swap3A_735 = arith.constant 0 : index
    %swap3A_736 = arith.index_cast %get3A_708 : i32 to index
    %swap3A_737 = arith.constant 0 : index
    %swap3A_738 = vector.load %arg4[%swap3A_735, %swap3A_736, %swap3A_737] : memref<1x4096x128xf32, #tpu.memory_space<vmem>>, vector<1x1x128xf32>
    %swap3A_739 = vector.shape_cast %swap3A_738 : vector<1x1x128xf32> to vector<1x128xf32>
    %swap3A_740 = vector.shape_cast %get3A_734 : vector<1x128xf32> to vector<1x1x128xf32>
    tpu.vector_store %arg4[%swap3A_735, %swap3A_736, %swap3A_737], %swap3A_740 {strides = array<i32>} : memref<1x4096x128xf32, #tpu.memory_space<vmem>>, vector<1x1x128xf32>,
    %get3A_741 = arith.constant 12 : index
    %get3A_742 = memref.load %arg1[%get3A_741] : memref<16xi32, #tpu.memory_space<smem>>
    %get3A_743 = arith.constant 13 : index
    %get3A_744 = memref.load %arg1[%get3A_743] : memref<16xi32, #tpu.memory_space<smem>>
    %eq3A_745 = arith.cmpi eq, %get3A_744, %get3A_742 : i32
    %jit3A_746 = arith.constant 13 : i32
    %jit3A_747 = arith.constant 12 : i32
    %select_n3A_748 = arith.select %eq3A_745, %jit3A_746, %jit3A_747 : i32
    %get3A_749 = arith.constant 14 : index
    %get3A_750 = memref.load %arg1[%get3A_749] : memref<16xi32, #tpu.memory_space<smem>>
    %eq3A_751 = arith.cmpi eq, %get3A_750, %get3A_742 : i32
    %jit3A_752 = arith.constant 14 : i32
    %select_n3A_753 = arith.select %eq3A_751, %jit3A_752, %select_n3A_748 : i32
    %get3A_754 = arith.constant 15 : index
    %get3A_755 = memref.load %arg1[%get3A_754] : memref<16xi32, #tpu.memory_space<smem>>
    %eq3A_756 = arith.cmpi eq, %get3A_755, %get3A_742 : i32
    %jit3A_757 = arith.constant 15 : i32
    %select_n3A_758 = arith.select %eq3A_756, %jit3A_757, %select_n3A_753 : i32
    %get3A_759 = arith.constant 0 : index
    %get3A_760 = arith.index_cast %select_n3A_758 : i32 to index
    %get3A_761 = arith.constant 0 : index
    %get3A_762 = vector.load %arg2[%get3A_759, %get3A_760, %get3A_761] : memref<1x16x128xf32, #tpu.memory_space<vmem>>, vector<1x1x128xf32>
    %get3A_763 = vector.shape_cast %get3A_762 : vector<1x1x128xf32> to vector<1x128xf32>
    %swap3A_764 = arith.constant 0 : index
    %swap3A_765 = arith.index_cast %get3A_742 : i32 to index
    %swap3A_766 = arith.constant 0 : index
    %swap3A_767 = vector.load %arg4[%swap3A_764, %swap3A_765, %swap3A_766] : memref<1x4096x128xf32, #tpu.memory_space<vmem>>, vector<1x1x128xf32>
    %swap3A_768 = vector.shape_cast %swap3A_767 : vector<1x1x128xf32> to vector<1x128xf32>
    %swap3A_769 = vector.shape_cast %get3A_763 : vector<1x128xf32> to vector<1x1x128xf32>
    tpu.vector_store %arg4[%swap3A_764, %swap3A_765, %swap3A_766], %swap3A_769 {strides = array<i32>} : memref<1x4096x128xf32, #tpu.memory_space<vmem>>, vector<1x1x128xf32>,
    %get3A_770 = arith.constant 13 : index
    %get3A_771 = memref.load %arg1[%get3A_770] : memref<16xi32, #tpu.memory_space<smem>>
    %get3A_772 = arith.constant 14 : index
    %get3A_773 = memref.load %arg1[%get3A_772] : memref<16xi32, #tpu.memory_space<smem>>
    %eq3A_774 = arith.cmpi eq, %get3A_773, %get3A_771 : i32
    %jit3A_775 = arith.constant 14 : i32
    %jit3A_776 = arith.constant 13 : i32
    %select_n3A_777 = arith.select %eq3A_774, %jit3A_775, %jit3A_776 : i32
    %get3A_778 = arith.constant 15 : index
    %get3A_779 = memref.load %arg1[%get3A_778] : memref<16xi32, #tpu.memory_space<smem>>
    %eq3A_780 = arith.cmpi eq, %get3A_779, %get3A_771 : i32
    %jit3A_781 = arith.constant 15 : i32
    %select_n3A_782 = arith.select %eq3A_780, %jit3A_781, %select_n3A_777 : i32
    %get3A_783 = arith.constant 0 : index
    %get3A_784 = arith.index_cast %select_n3A_782 : i32 to index
    %get3A_785 = arith.constant 0 : index
    %get3A_786 = vector.load %arg2[%get3A_783, %get3A_784, %get3A_785] : memref<1x16x128xf32, #tpu.memory_space<vmem>>, vector<1x1x128xf32>
    %get3A_787 = vector.shape_cast %get3A_786 : vector<1x1x128xf32> to vector<1x128xf32>
    %swap3A_788 = arith.constant 0 : index
    %swap3A_789 = arith.index_cast %get3A_771 : i32 to index
    %swap3A_790 = arith.constant 0 : index
    %swap3A_791 = vector.load %arg4[%swap3A_788, %swap3A_789, %swap3A_790] : memref<1x4096x128xf32, #tpu.memory_space<vmem>>, vector<1x1x128xf32>
    %swap3A_792 = vector.shape_cast %swap3A_791 : vector<1x1x128xf32> to vector<1x128xf32>
    %swap3A_793 = vector.shape_cast %get3A_787 : vector<1x128xf32> to vector<1x1x128xf32>
    tpu.vector_store %arg4[%swap3A_788, %swap3A_789, %swap3A_790], %swap3A_793 {strides = array<i32>} : memref<1x4096x128xf32, #tpu.memory_space<vmem>>, vector<1x1x128xf32>,
    %get3A_794 = arith.constant 14 : index
    %get3A_795 = memref.load %arg1[%get3A_794] : memref<16xi32, #tpu.memory_space<smem>>
    %get3A_796 = arith.constant 15 : index
    %get3A_797 = memref.load %arg1[%get3A_796] : memref<16xi32, #tpu.memory_space<smem>>
    %eq3A_798 = arith.cmpi eq, %get3A_797, %get3A_795 : i32
    %jit3A_799 = arith.constant 15 : i32
    %jit3A_800 = arith.constant 14 : i32
    %select_n3A_801 = arith.select %eq3A_798, %jit3A_799, %jit3A_800 : i32
    %get3A_802 = arith.constant 0 : index
    %get3A_803 = arith.index_cast %select_n3A_801 : i32 to index
    %get3A_804 = arith.constant 0 : index
    %get3A_805 = vector.load %arg2[%get3A_802, %get3A_803, %get3A_804] : memref<1x16x128xf32, #tpu.memory_space<vmem>>, vector<1x1x128xf32>
    %get3A_806 = vector.shape_cast %get3A_805 : vector<1x1x128xf32> to vector<1x128xf32>
    %swap3A_807 = arith.constant 0 : index
    %swap3A_808 = arith.index_cast %get3A_795 : i32 to index
    %swap3A_809 = arith.constant 0 : index
    %swap3A_810 = vector.load %arg4[%swap3A_807, %swap3A_808, %swap3A_809] : memref<1x4096x128xf32, #tpu.memory_space<vmem>>, vector<1x1x128xf32>
    %swap3A_811 = vector.shape_cast %swap3A_810 : vector<1x1x128xf32> to vector<1x128xf32>
    %swap3A_812 = vector.shape_cast %get3A_806 : vector<1x128xf32> to vector<1x1x128xf32>
    tpu.vector_store %arg4[%swap3A_807, %swap3A_808, %swap3A_809], %swap3A_812 {strides = array<i32>} : memref<1x4096x128xf32, #tpu.memory_space<vmem>>, vector<1x1x128xf32>,
    %get3A_813 = arith.constant 15 : index
    %get3A_814 = memref.load %arg1[%get3A_813] : memref<16xi32, #tpu.memory_space<smem>>
    %get3A_815 = arith.constant 0 : index
    %get3A_816 = arith.constant 15 : index
    %get3A_817 = arith.constant 0 : index
    %get3A_818 = vector.load %arg2[%get3A_815, %get3A_816, %get3A_817] : memref<1x16x128xf32, #tpu.memory_space<vmem>>, vector<1x1x128xf32>
    %get3A_819 = vector.shape_cast %get3A_818 : vector<1x1x128xf32> to vector<1x128xf32>
    %swap3A_820 = arith.constant 0 : index
    %swap3A_821 = arith.index_cast %get3A_814 : i32 to index
    %swap3A_822 = arith.constant 0 : index
    %swap3A_823 = vector.load %arg4[%swap3A_820, %swap3A_821, %swap3A_822] : memref<1x4096x128xf32, #tpu.memory_space<vmem>>, vector<1x1x128xf32>
    %swap3A_824 = vector.shape_cast %swap3A_823 : vector<1x1x128xf32> to vector<1x128xf32>
    %swap3A_825 = vector.shape_cast %get3A_819 : vector<1x128xf32> to vector<1x1x128xf32>
    tpu.vector_store %arg4[%swap3A_820, %swap3A_821, %swap3A_822], %swap3A_825 {strides = array<i32>} : memref<1x4096x128xf32, #tpu.memory_space<vmem>>, vector<1x1x128xf32>,
    return
  }
  func.func @transform_0(%arg0: i32) -> i32 {
    %c0_i32 = arith.constant 0 : i32
    %c0_i32_0 = arith.constant 0 : i32
    return %c0_i32 : i32
  }
  func.func @transform_1(%arg0: i32) -> (i32, i32, i32) {
    %c0_i32 = arith.constant 0 : i32
    %c0_i32_0 = arith.constant 0 : i32
    %c0_i32_1 = arith.constant 0 : i32
    return %arg0, %c0_i32, %c0_i32_0 : i32, i32, i32
  }
  func.func @transform_2(%arg0: i32) -> (i32, i32, i32) {
    %c0_i32 = arith.constant 0 : i32
    %c0_i32_0 = arith.constant 0 : i32
    %c0_i32_1 = arith.constant 0 : i32
    return %arg0, %c0_i32, %c0_i32_0 : i32, i32, i32
  }
  func.func @transform_3(%arg0: i32) -> (i32, i32, i32) {
    %c0_i32 = arith.constant 0 : i32
    %c0_i32_0 = arith.constant 0 : i32
    %c0_i32_1 = arith.constant 0 : i32
    return %arg0, %c0_i32, %c0_i32_0 : i32, i32, i32
  }
}

</mosaic_0001>

<sc_bundles>
// kernel: kernel.5.cloned.1.call-start
scs
__scs_entry_jumppad:
0x0: {  	(pc) =	sbr.rel $0x88, $3  }
0x1: {  	(tag) =	ssettag $0x0;
	lr =	simm.s32 $0x1  }
0x2: {  	[smem:$0x3F9C] =	sst lr;
	_ =	strace $0xD0000000  }
0x3: {  	_ = 	snop  }
0x4: {  	_ = 	snop  }
0x5: {  	_ = 	snop  }
0x6: {  	_ = 	snop  }
0x7: {  	_ = 	snop  }
__scs_overlays_trampoline_lowered:
0x8: {  	[smem:$0x3FAB] =	sst s0  }
0x9: {  	[smem:$0x3FAC] =	sst s1  }
0xa: {  	[smem:$0x3FAD] =	sst s2  }
0xb: {  	[smem:$0x3FAE] =	sst s3  }
0xc: {  	[smem:$0x3FAF] =	sst s4  }
0xd: {  	[smem:$0x3FB0] =	sst s5  }
0xe: {  	[smem:$0x3FB1] =	sst s6  }
0xf: {  	[smem:$0x3FB2] =	sst s7  }
0x10: {  	[smem:$0x3FB3] =	sst s8  }
0x11: {  	[smem:$0x3FB4] =	sst s9;
	s0 =	simm.s32 @!p0 $0x0  }
0x12: {  	s1 =	sld [smem:$0x3F9A];
	s0 =	simm.s32 @p0 $0x1  }
0x13: {  	[smem:$0x3FB5] =	sst s0;
	s0 =	simm.s32 @!p1 $0x0  }
0x14: {  	s2 =	sld [smem:$0x3F99];
	s0 =	simm.s32 @p1 $0x1  }
0x15: {  	[smem:$0x3FB6] =	sst s0;
	s0 =	simm.s32 @!p2 $0x0  }
0x16: {  	s3 =	sld [smem:$0x3FDB];
	s0 =	simm.s32 @p2 $0x1  }
0x17: {  	s4 =	simm.s32 $0x1BF5;
	[smem:$0x3FB8] =	sst s0  }
0x18: {  	s0 =	sld [smem:$0x3F9B];
	_ =	swait.ge [sflag:s4], $0x0  }
0x19: {  	s7 =	sld [smem:$0x3F9C]  }
0x1a: {  	s8 =	sadd.s32 $0xFFFFE003, lr  }
0x1b: {  	s9 =	sadd.s32 $0xFFFFFEF7, lr;
	s5 =	simm.s32 $0xFFFFFFFF;
	p2 =	slt.u32 s8, $0xFFFFF086  }
0x1c: {  	p1 =	slt.u32 s9, $0xF7A;
	s5 =	simm.s32 @!p2 $0x0  }
0x1d: {  	s5 =	simm.s32 @p1 $0x1;
	p0 =	seq.s32 s7, s2  }
0x1e: {  	s7 =	smul.u32 @!p0 $0xF7A, s2;
	p2 =	seq.s32 @!p0 s5, $0x0  }
0x1f: {  	s9 =	smul.u32 $0xF7A, s1;
	s8 =	simm.s32 @!p0 $0x1BF5;
	p2 =	por !p2, p0  }
0x20: {  	[sflag:s8] =	ssyncset.s32 @!p0 $0xFFFFF086;
	s6 =	sadd.s32 @!p0 s3, s7;
	s7 =	simm.s32 @!p0 $0x108  }
0x21: {  	s3 =	sadd.s32 s3, s9;
	s6 =	sadd.s32 @!p0 $0x88, s6;
	s7 =	simm.s32 @p2 $0x1082  }
0x22: {  	[simem:s7], [sflag:s8] =	dma.local @!p0 [hbm:s6], $0xF7A  }
0x23: {  	s9 =	sor.u32 $0xD0000000, s2;
	s6 =	simm.s32 $0x108;
	_ =	swait.ge @!p0 [sflag:s8], $0x0  }
0x24: {  	s3 =	sadd.s32 $0x88, s3;
	s6 =	simm.s32 @!p1 $0x1082;
	[sflag:s4] =	ssyncset.s32 $0xFFFFF086  }
0x25: {  	[simem:s6], [sflag:s4] =	dma.local [hbm:s3], $0xF7A  }
0x26: {  	[smem:$0x3F9C] =	sst s1;
	(tag) =	ssettag s2;
	_ =	strace s9  }
0x27: {  	s1 =	sld [smem:$0x3FAC]  }
0x28: {  	s2 =	sld [smem:$0x3FAD]  }
0x29: {  	s4 =	sld [smem:$0x3FAF]  }
0x2a: {  	p0 =	seq.s32 s5, $0x0;
	s5 =	sld [smem:$0x3FB0]  }
0x2b: {  	s6 =	sld [smem:$0x3FB1]  }
0x2c: {  	s7 =	sld [smem:$0x3FB2]  }
0x2d: {  	s3 =	simm.s32 $0x108;
	s8 =	sld [smem:$0x3FB3]  }
0x2e: {  	s3 =	simm.s32 @!p0 $0x1082;
	s9 =	sld [smem:$0x3FB4]  }
0x2f: {  	lr =	sadd.s32 s0, s3;
	s0 =	sld [smem:$0x3FAB]  }
0x30: {  	s3 =	sld [smem:$0x3FAE]  }
0x31: {  	[smem:$0x3FB7] =	sst s10  }
0x32: {  	s10 =	sld [smem:$0x3FB5];
	_ =	sdelay $0x3  }
0x33: {  	p0 =	seq.s32 s10, $0x1;
	s10 =	sld [smem:$0x3FB7];
	_ =	sdelay $0x3  }
0x34: {  	[smem:$0x3FB7] =	sst s10  }
0x35: {  	s10 =	sld [smem:$0x3FB6];
	_ =	sdelay $0x3  }
0x36: {  	p1 =	seq.s32 s10, $0x1;
	s10 =	sld [smem:$0x3FB7];
	_ =	sdelay $0x3  }
0x37: {  	[smem:$0x3FB7] =	sst s10  }
0x38: {  	s10 =	sld [smem:$0x3FB8]  }
0x39: {  	_ = 	snop;
	(pc) =	sbr.ind lr, $3  }
0x3a: {  	_ = 	snop  }
0x3b: {  	_ = 	snop  }
0x3c: {  	p2 =	seq.s32 s10, $0x1;
	s10 =	sld [smem:$0x3FB7]  }
0x3d: {  	_ =	shalt  }
0x3e: {  	_ =	shalt  }
0x3f: {  	_ =	shalt  }
0x40: {  	_ =	shalt  }
0x41: {  	_ =	shalt  }
0x42: {  	_ =	shalt  }
0x43: {  	_ =	shalt  }
0x44: {  	_ =	shalt  }
0x45: {  	_ =	shalt  }
0x46: {  	_ =	shalt  }
0x47: {  	_ =	shalt  }
0x48: {  	_ =	shalt  }
0x49: {  	_ =	shalt  }
0x4a: {  	_ =	shalt  }
0x4b: {  	_ =	shalt  }
0x4c: {  	_ =	shalt  }
0x4d: {  	_ =	shalt  }
0x4e: {  	_ =	shalt  }
0x4f: {  	_ =	shalt  }
0x50: {  	_ =	shalt  }
0x51: {  	_ =	shalt  }
0x52: {  	_ =	shalt  }
0x53: {  	_ =	shalt  }
0x54: {  	_ =	shalt  }
0x55: {  	_ =	shalt  }
0x56: {  	_ =	shalt  }
0x57: {  	_ =	shalt  }
0x58: {  	_ =	shalt  }
0x59: {  	_ =	shalt  }
0x5a: {  	_ =	shalt  }
0x5b: {  	_ =	shalt  }
0x5c: {  	_ =	shalt  }
0x5d: {  	_ =	shalt  }
0x5e: {  	_ =	shalt  }
0x5f: {  	_ =	shalt  }
0x60: {  	_ =	shalt  }
0x61: {  	_ =	shalt  }
0x62: {  	_ =	shalt  }
0x63: {  	_ =	shalt  }
0x64: {  	_ =	shalt  }
0x65: {  	_ =	shalt  }
0x66: {  	_ =	shalt  }
0x67: {  	_ =	shalt  }
0x68: {  	_ =	shalt  }
0x69: {  	_ =	shalt  }
0x6a: {  	_ =	shalt  }
0x6b: {  	_ =	shalt  }
0x6c: {  	_ =	shalt  }
0x6d: {  	_ =	shalt  }
0x6e: {  	_ =	shalt  }
0x6f: {  	_ =	shalt  }
0x70: {  	_ =	shalt  }
0x71: {  	_ =	shalt  }
0x72: {  	_ =	shalt  }
0x73: {  	_ =	shalt  }
0x74: {  	_ =	shalt  }
0x75: {  	_ =	shalt  }
0x76: {  	_ =	shalt  }
0x77: {  	_ =	shalt  }
0x78: {  	_ =	shalt  }
0x79: {  	_ =	shalt  }
0x7a: {  	_ =	shalt  }
0x7b: {  	_ =	shalt  }
0x7c: {  	_ =	shalt  }
0x7d: {  	_ =	shalt  }
0x7e: {  	_ =	shalt  }
0x7f: {  	_ =	shalt  }
0x80: {  	_ =	shalt  }
0x81: {  	_ =	shalt  }
0x82: {  	_ =	shalt  }
0x83: {  	_ =	shalt  }
0x84: {  	_ =	shalt  }
0x85: {  	_ =	shalt  }
0x86: {  	_ =	shalt  }
0x87: {  	_ =	shalt  }
.Lfunc_end0:
.L_simem_size_0:
called_computation_lowered:
.L_overlay_start_0:
0x88: {  	s2 =	sld [smem:$0x3FD9]  }
0x89: {  	s3 =	sld [smem:$0x3FFE];
	_ =	sdelay $0x1  }
0x8a: {  	s1 =	srdreg.scid  }
0x8b: {  	s0 =	sand.u32 $0x1, s1  }
0x8c: {  	s15 =	sshll.u32 s0, $0xA;
	s2 =	sadd.s32 s3, s2  }
0x8d: {  	s2 =	sadd.s32 s2, s15  }
0x8e: {  	[smem:$0x3FC3] =	sst s2  }
0x8f: {  	_ = 	snop  }
0x90: {  	s2 =	sld [smem:$0x3FD0]  }
0x91: {  	s16 =	sld [smem:$0x3FC9]  }
0x92: {  	s4 =	sld [smem:$0x3FC7]  }
0x93: {  	s6 =	simm.s32 $0xA;
	s7 =	simm.s32 $0x10;
	s5 =	sld [smem:$0x3FC5]  }
0x94: {  	[smem:s7], [sflag:s6] =	dma.local [hbm:s2], $0x1  }
0x95: {  	_ =	swait.eq [sflag:s6], $0x1  }
0x96: {  	[sflag:s6] =	ssyncset.done $0x0  }
0x97: {  	[sflag:s6] =	ssyncadd.s32 $0xFFFFFFFF  }
0x98: {  	s17 =	sld [smem:$0x11];
	(tm) =	ssettm $0x1  }
0x99: {  	s18 =	sld [smem:$0x3FFB];
	_ =	sdelay $0x3  }
0x9a: {  	_ =	strace s18  }
0x9b: {  	s6 =	sld [smem:$0x3FFC];
	_ =	sdelay $0x3  }
0x9c: {  	_ =	strace s6  }
0x9d: {  	s6 =	sld [smem:$0x3FFD];
	_ =	sdelay $0x3  }
0x9e: {  	_ =	strace s6  }
0x9f: {  	_ =	strace $0x8FFFFFFF  }
0xa0: {  	s19 =	sld [smem:$0x3FDB];
	_ =	sdelay $0x1  }
0xa1: {  	s20 =	simm.s32 $_scs_section_size  }
0xa2: {  	s8 =	simm.s32 $_size__tile_overlayer_lowered;
	s9 =	simm.s32 $_tile_overlayer_lowered  }
0xa3: {  	s23 =	simm.s32 $0x1BFF;
	s22 =	sshll.u32 s9, $0x1;
	s6 =	sadd.s32 s20, s19  }
0xa4: {  	s10 =	simm.s32 $0x0;
	s21 =	sshll.u32 s8, $0x1;
	s8 =	sadd.s32 s22, s6  }
0xa5: {  	[timem:s10], [sflag:s23] =	dma.local [hbm:s8], s21  }
0xa6: {  	_ =	swait.ge [sflag:s23], s21  }
0xa7: {  	s7 =	ssub.s32 $0x0, s21;
	[sflag:s23] =	ssyncset.done $0x0  }
0xa8: {  	[sflag:s23] =	ssyncadd.s32 s7;
	_ =	sdelay $0x1  }
0xa9: {  	s24 =	simm.s32 $0x1B8B  }
0xaa: {  	_ =	swait.ge [sflag:s24], $0x1  }
0xab: {  	[sflag:s24] =	ssyncset.done $0x0  }
0xac: {  	s25 =	simm.s32 $0x1B8E;
	[sflag:s24] =	ssyncadd.s32 $0xFFFFFFFF  }
0xad: {  	s26 =	simm.s32 $execute0_lowered;
	[smem:$0x3FD2] =	sst s25  }
0xae: {  	s7 =	sshll.u32 s26, $0x1;
	_ =	strace $0x80000046;
	[dreg:$0x1] =	wrdreg $0xFFFFFFFF  }
0xaf: {  	s28 =	simm.s32 $_size_execute0_lowered;
	s6 =	sadd.s32 s6, s7;
	[dreg:$0x0] =	wrdreg $0x0  }
0xb0: {  	s7 =	sshll.u32 s28, $0x1;
	[dreg:$0x2] =	wrdreg s6  }
0xb1: {  	[dreg:$0x3] =	wrdreg s7  }
0xb2: {  	[dreg:$0x4] =	wrdreg $0xC0  }
0xb3: {  	_ =	task [dreg:s10], $0x5FFFF  }
0xb4: {  	[dreg:$0x1] =	wrdreg $0xFFFFFFFF  }
0xb5: {  	[dreg:$0x0] =	wrdreg $0x60  }
0xb6: {  	[dreg:$0x2] =	wrdreg s16  }
0xb7: {  	[dreg:$0x3] =	wrdreg s4  }
0xb8: {  	[dreg:$0x4] =	wrdreg s5  }
0xb9: {  	[dreg:$0x5] =	wrdreg s17  }
0xba: {  	[dreg:$0x6] =	wrdreg $0x9  }
0xbb: {  	_ =	task.clear_ibuf [dreg:s10], $0x7FFFF;
	_ =	strace $0x90000046  }
0xbc: {  	s29 =	simm.s32 $0x9;
	_ =	strace $0x80000048  }
0xbd: {  	_ =	swait.ge [sflag:s29], $0x1  }
0xbe: {  	[sflag:s29] =	ssyncadd.s32 $0xFFFFFFFF  }
0xbf: {  	_ =	strace $0x90000048  }
0xc0: {  	_ =	sfence  }
0xc1: {  	s30 =	sld [smem:$0x0];
	_ =	sdelay $0x2  }
0xc2: {  	s31 =	sshll.u32 s1, $0xD;
	s1 =	sshrl.u32 s1, $0x2  }
0xc3: {  	s3 =	sand.u32 $0x4000, s31;
	s1 =	sadd.s32 s1, s30  }
0xc4: {  	s0 =	sor.u32 s3, s0;
	s1 =	sshll.u32 s1, $0x11  }
0xc5: {  	s0 =	sor.u32 s1, s0  }
0xc6: {  	s0 =	sadd.s32 $0x8F2B, s0  }
0xc7: {  	[sflag:s0] =	ssyncadd.remote.s32 $0x1  }
0xc8: {  	_ =	sfence.sel $0xFFFF  }
0xc9: {  	[dreg:$0x0] =	wrdreg $0xFFFFFFFF;
	(pc) =	sbr.abs _section_cstart, $3  }
0xca: {  	[dreg:$0x1] =	wrdreg $0xFFFFFFFF  }
0xcb: {  	_ =	task.clear_ibuf [dreg:s10], $0x2FFFF;
	_ =	strace $0x9FFFFFFF  }
0xcc: {  	(tm) =	ssettm $0x7FFFFFFF  }
0xcd: {  	_ =	shalt  }
tec
execute0_lowered:
.L_overlay_start_1:
0x0: {  	(tag) =	ssettag $0x1  }
0x1: {  	s1 =	rddreg [dreg:$0x0]  }
0x2: {  	s3 =	rddreg [dreg:$0x1]  }
0x3: {  	s11 =	rddreg [dreg:$0x2]  }
0x4: {  	s4 =	rddreg [dreg:$0x3]  }
0x5: {  	s5 =	srdreg.scid;
	s2 =	stileid.u32  }
0x6: {  	s0 =	rddreg [dreg:$0x4];
	s21 =	simm.s32 $0x80;
	s22 =	simm.s32 $0x180  }
0x7: {  	s23 =	simm.s32 $0x5;
	s24 =	simm.s32 $0x100;
	s12 =	sand.u32 $0x1, s5  }
0x8: {  	s6 =	sshll.u32 s2, $0x1;
	s5 =	simm.s32 $0x0;
	s30 =	sshll.u32 s2, $0x12  }
0x9: {  	s7 =	ssub.s32 $0x2, s12;
	s8 =	sor.u32 s12, s6;
	[smem:$0x7FF] =	sst s5  }
0xa: {  	s31 =	sadd.s32 s30, s4;
	s12 =	sshll.u32 s12, $0x11;
	s25 =	sshrl.u32 s7, $0x1  }
0xb: {  	s9 =	sshll.u32 s8, $0x11;
	_ =	strace $0x80000047;
	s14 =	sshll.u32 s8, $0xD  }
0xc: {  	s15 =	sshll.u32 s8, $0x1;
	s16 =	sshllo.u32 s8, $0x1;
	s8 =	sshll.u32 s8, $0x5  }
0xd: {  	s10 =	ssub.s32 s7, s25;
	s13 =	sor.u32 $0x400000, s9;
	s26 =	sadd.s32 s9, s11  }
0xe: {  	s17 =	sor.u32 $0x40, s15;
	s15 =	sor.u32 $0x41, s15;
	s18 =	sshll.u32 s16, $0x4  }
0xf: {  	v8 =	vimm.s32 $0x1;
	v9 =	vlaneseq.u32;
	s16 =	sshll.u32 s16, $0xC;
	v1 =	vmov s14;
	s29 =	sadd.s32 s9, s4;
	s14 =	simm.s32 $0xA180  }
0x10: {  	v10 =	vimm.s32 $0x2;
	v11 =	vimm.s32 $0x3;
	v12 =	vimm.s32 $0x4;
	s25 =	simm.s32 $0x0;
	s6 =	sadd.s32 s11, s13;
	s7 =	sadd.s32 $0x401000, s26  }
0x11: {  	v13 =	vimm.s32 $0x5;
	v14 =	vimm.s32 $0x6;
	v15 =	vimm.s32 $0x7;
	s13 =	sadd.s32 s4, s13;
	s19 =	sshll.u32 s17, $0x4;
	s17 =	sshll.u32 s17, $0xC  }
0x12: {  	v16 =	vimm.s32 $0x8;
	v17 =	vimm.s32 $0x9;
	v0 =	vmov s8;
	s20 =	sshll.u32 s15, $0x4;
	s28 =	sshll.u32 s15, $0xC;
	s8 =	smax.u32 s10, $0x1  }
0x13: {  	v18 =	vimm.s32 $0xA;
	v19 =	vimm.s32 $0xB;
	v3 =	vmov s16;
	s10 =	sadd.s32 $0x41F000, s29;
	s15 =	simm.s32 $0x1;
	s16 =	simm.s32 $0x2  }
0x14: {  	v20 =	vimm.s32 $0xC;
	v21 =	vimm.s32 $0xD;
	v2 =	vmov s18;
	s18 =	simm.s32 $0x4;
	s9 =	sadd.s32 $0x1E000, s13;
	s13 =	sadd.s32 s30, s11  }
0x15: {  	v22 =	vimm.s32 $0xE;
	v4 =	vmov s19;
	v5 =	vmov s17;
	s11 =	sadd.s32 s12, s31;
	s17 =	simm.s32 $0x3;
	s19 =	simm.s32 $0x6  }
0x16: {  	v23 =	vimm.s32 $0xF;
	v6 =	vmov s20;
	v7 =	vmov s28;
	s20 =	simm.s32 $0x40;
	s12 =	sadd.s32 s12, s13;
	s13 =	simm.s32 $0x2180  }
.LBB2_1:
0x17: {  	[tilespmem:s13], [sflag:$0x1] =	stream.linear.gather [hbm4b:s6+s5], $0x8000, $0x38;
	[tilespmem:$0x12180] =	vst v63  }
0x18: {  	_ = 	snop  }
0x19: {  	[tilespmem:s14], [sflag:$0x2] =	stream.linear.gather [hbm4b:s7+s5], $0x8000, $0x38;
	[tilespmem:$0x12180] =	vst v63  }
0x1a: {  	_ =	swait.ge [sflag:s15], $0x8000  }
0x1b: {  	s26 =	sadd.s32 $0x0, s11;
	[sflag:s15] =	ssyncset.done $0x0  }
0x1c: {  	s28 =	sadd.s32 $0x400000, s26;
	[sflag:s15] =	ssyncadd.s32 $0xFFFF8000  }
0x1d: {  	[hbm4b:s28+s5] =	stream.linear.scatter [tilespmem:s13], [sflag:$0x3], $0x8000, $0x38;
	[tilespmem:$0x12180] =	vst v63  }
0x1e: {  	_ =	swait.ge [sflag:s16], $0x8000  }
0x1f: {  	[sflag:s16] =	ssyncset.done $0x0  }
0x20: {  	s26 =	sadd.s32 $0x401000, s26;
	[sflag:s16] =	ssyncadd.s32 $0xFFFF8000  }
0x21: {  	[hbm4b:s26+s5] =	stream.linear.scatter [tilespmem:s14], [sflag:$0x4], $0x8000, $0x38;
	[tilespmem:$0x12180] =	vst v63  }
0x22: {  	_ =	swait.ge [sflag:s17], $0x8000  }
0x23: {  	s28 =	sadd.s32 $0x0, s12;
	[sflag:s17] =	ssyncset.done $0x0  }
0x24: {  	s31 =	sadd.s32 $0x402000, s28;
	[sflag:s17] =	ssyncadd.s32 $0xFFFF8000  }
0x25: {  	[tilespmem:s13], [sflag:$0x1] =	stream.linear.gather [hbm4b:s31+s5], $0x8000, $0x38;
	[tilespmem:$0x12180] =	vst v63  }
0x26: {  	_ =	swait.ge [sflag:s18], $0x8000  }
0x27: {  	[sflag:s18] =	ssyncset.done $0x0  }
0x28: {  	s28 =	sadd.s32 $0x403000, s28;
	s26 =	simm.s32 $0x2000;
	[sflag:s18] =	ssyncadd.s32 $0xFFFF8000  }
.LBB2_2:
0x29: {  	[tilespmem:s14], [sflag:$0x2] =	stream.linear.gather [hbm4b:s28+s5], $0x8000, $0x38;
	[tilespmem:$0x12180] =	vst v63  }
0x2a: {  	s28 =	smov.u32 s26  }
0x2b: {  	p0 =	sne.s32 s26, $0x1C000;
	s26 =	sadd.s32 $0x2000, s26;
	_ =	swait.ge [sflag:s15], $0x8000  }
0x2c: {  	s29 =	sadd.s32 s28, s11;
	[sflag:s15] =	ssyncset.done $0x0  }
0x2d: {  	s30 =	sadd.s32 $0x400000, s29;
	[sflag:s15] =	ssyncadd.s32 $0xFFFF8000  }
0x2e: {  	[hbm4b:s30+s5] =	stream.linear.scatter [tilespmem:s13], [sflag:$0x3], $0x8000, $0x38;
	[tilespmem:$0x12180] =	vst v63  }
0x2f: {  	_ =	swait.ge [sflag:s16], $0x8000  }
0x30: {  	[sflag:s16] =	ssyncset.done $0x0  }
0x31: {  	s29 =	sadd.s32 $0x401000, s29;
	[sflag:s16] =	ssyncadd.s32 $0xFFFF8000  }
0x32: {  	[hbm4b:s29+s5] =	stream.linear.scatter [tilespmem:s14], [sflag:$0x4], $0x8000, $0x38;
	[tilespmem:$0x12180] =	vst v63  }
0x33: {  	_ =	swait.ge [sflag:s17], $0x8000  }
0x34: {  	s28 =	sadd.s32 s28, s12;
	[sflag:s17] =	ssyncset.done $0x0  }
.Ltmp0:
0x35: {  	s29 =	sadd.s32 $0x402000, s28;
	[sflag:s17] =	ssyncadd.s32 $0xFFFF8000;
	(pc) =	sbr.rel @p0 .LBB2_2-.Ltmp0, $4  }
0x36: {  	[tilespmem:s13], [sflag:$0x1] =	stream.linear.gather [hbm4b:s29+s5], $0x8000, $0x38;
	[tilespmem:$0x12180] =	vst v63  }
0x37: {  	_ =	swait.ge [sflag:s18], $0x8000  }
0x38: {  	[sflag:s18] =	ssyncset.done $0x0  }
0x39: {  	s28 =	sadd.s32 $0x403000, s28;
	[sflag:s18] =	ssyncadd.s32 $0xFFFF8000  }
0x3a: {  	[tilespmem:s14], [sflag:$0x2] =	stream.linear.gather [hbm4b:s28+s5], $0x8000, $0x38;
	[tilespmem:$0x12180] =	vst v63  }
0x3b: {  	_ =	swait.ge [sflag:s15], $0x8000  }
0x3c: {  	[sflag:s15] =	ssyncset.done $0x0  }
0x3d: {  	[sflag:s15] =	ssyncadd.s32 $0xFFFF8000  }
0x3e: {  	[hbm4b:s9+s5] =	stream.linear.scatter [tilespmem:s13], [sflag:$0x3], $0x8000, $0x38;
	[tilespmem:$0x12180] =	vst v63  }
0x3f: {  	_ =	swait.ge [sflag:s16], $0x8000  }
0x40: {  	[sflag:s16] =	ssyncset.done $0x0  }
0x41: {  	[sflag:s16] =	ssyncadd.s32 $0xFFFF8000  }
0x42: {  	[hbm4b:s10+s5] =	stream.linear.scatter [tilespmem:s14], [sflag:$0x4], $0x8000, $0x38;
	[tilespmem:$0x12180] =	vst v63  }
0x43: {  	_ =	swait.ge [sflag:s17], $0x8000  }
0x44: {  	[sflag:s17] =	ssyncset.done $0x0  }
0x45: {  	[sflag:s17] =	ssyncadd.s32 $0xFFFF8000  }
0x46: {  	_ =	swait.ge [sflag:s18], $0x8000  }
0x47: {  	[sflag:s18] =	ssyncset.done $0x0  }
0x48: {  	[sflag:s18] =	ssyncadd.s32 $0xFFFF8000  }
0x49: {  	[tilespmem:s5], [sflag:$0x6] =	stream.linear.gather [hbm4b:s1+s5], $0x80, $0x38;
	[tilespmem:$0x12180] =	vst v63  }
0x4a: {  	_ =	swait.ge [sflag:s19], $0x80  }
0x4b: {  	[sflag:s19] =	ssyncset.done $0x0  }
0x4c: {  	[sflag:s19] =	ssyncadd.s32 $0xFFFFFF80  }
0x4d: {  	v24 =	vld [tilespmem:$0x0];
	_ =	sdelay $0x4  }
0x4e: {  	v25 =	vperm.xlane v24, v8  }
0x4f: {  	v26 =	vperm.xlane v24, v10  }
0x50: {  	v46 =	vperm.xlane v24, v11;
	v47 =	vperm.xlane v24, v12;
	vm0 =	veq.s32 v24, v25  }
0x51: {  	v48 =	vperm.xlane v24, v13;
	vm14 =	veq.s32 v24, v26;
	v27 =	vsel vm0, $0x1, v9  }
0x52: {  	v49 =	vperm.xlane v24, v14;
	vm15 =	veq.s32 v24, v46;
	v27 =	vsel vm14, $0x2, v27  }
0x53: {  	v50 =	vperm.xlane v24, v15;
	vm4 =	veq.s32 v24, v47;
	v27 =	vsel vm15, $0x3, v27  }
0x54: {  	v51 =	vperm.xlane v24, v16;
	vm5 =	veq.s32 v24, v48;
	v27 =	vsel vm4, $0x4, v27  }
0x55: {  	v52 =	vperm.xlane v24, v17;
	vm6 =	veq.s32 v24, v49;
	v27 =	vsel vm5, $0x5, v27  }
0x56: {  	v53 =	vperm.xlane v24, v18;
	vm7 =	veq.s32 v24, v50;
	v27 =	vsel vm6, $0x6, v27  }
0x57: {  	v54 =	vperm.xlane v24, v19;
	vm8 =	veq.s32 v24, v51;
	v27 =	vsel vm7, $0x7, v27  }
0x58: {  	v55 =	vperm.xlane v24, v20;
	vm9 =	veq.s32 v24, v52;
	v27 =	vsel vm8, $0x8, v27  }
0x59: {  	v56 =	vperm.xlane v24, v21;
	vm10 =	veq.s32 v24, v53;
	v27 =	vsel vm9, $0x9, v27  }
0x5a: {  	v57 =	vperm.xlane v24, v22;
	vm11 =	veq.s32 v24, v54;
	v27 =	vsel vm10, $0xA, v27  }
0x5b: {  	v58 =	vperm.xlane v24, v23;
	vm12 =	veq.s32 v24, v55;
	v27 =	vsel vm11, $0xB, v27  }
0x5c: {  	v59 =	vadd.s32 v1, v24;
	vm13 =	veq.s32 v24, v56;
	v27 =	vsel vm12, $0xC, v27  }
0x5d: {  	v61 =	vadd.s32 v3, v24;
	[tilespmem:$0x100] =	vst v59;
	vm14 =	veq.s32 v24, v57;
	v27 =	vsel vm13, $0xD, v27  }
0x5e: {  	v63 =	vadd.s32 v5, v24;
	[tilespmem:$0x110] =	vst v61;
	vm15 =	veq.s32 v24, v58;
	v26 =	vsel vm14, $0xE, v27  }
0x5f: {  	[tilespmem:$0x120] =	vst v63;
	v24 =	vadd.s32 v7, v24;
	v25 =	vsel vm15, $0xF, v26  }
0x60: {  	[tilespmem:$0x130] =	vst v24;
	v26 =	vadd.s32 v0, v25  }
0x61: {  	v60 =	vadd.s32 v2, v25;
	[tilespmem:$0x80] =	vst v26  }
0x62: {  	v62 =	vadd.s32 v4, v25;
	[tilespmem:$0x90] =	vst v60  }
0x63: {  	v25 =	vadd.s32 v6, v25;
	[tilespmem:$0xA0] =	vst v62  }
0x64: {  	[tilespmem:$0xB0] =	vst v25  }
0x65: {  	[tilespmem:s22], [sflag:$0x5] =	stream.indirect.gather [hbm4b:s3+s20], $0x80, s21, s20, $0xb8;
	[tilespmem:$0x12180] =	vst v63  }
0x66: {  	s25 =	sadd.s32 $0x1, s25;
	_ =	swait.ge [sflag:s23], $0x2000  }
0x67: {  	p0 =	sne.s32 s25, s8;
	[sflag:s23] =	ssyncset.done $0x0  }
.Ltmp1:
0x68: {  	[sflag:s23] =	ssyncadd.s32 $0xFFFFE000;
	(pc) =	sbr.rel @p0 .LBB2_1-.Ltmp1, $4  }
0x69: {  	[hbm4b:s4+s20] =	stream.indirect.scatter [tilespmem:s22], [sflag:$0x5], $0x80, s24, s20, $0xb8;
	[tilespmem:$0x12180] =	vst v63  }
0x6a: {  	_ =	swait.ge [sflag:s23], $0x2000  }
0x6b: {  	[sflag:s23] =	ssyncset.done $0x0  }
0x6c: {  	[sflag:s23] =	ssyncadd.s32 $0xFFFFE000  }
0x6d: {  	_ =	sfence.sel $0x180000  }
0x6e: {  	[bflag:$0x0] =	sbarrier.arrive $0xFFFF  }
0x6f: {  	p0 =	sne.s32 s2, $0x0;
	_ =	strace $0x90000047  }
0x70: {  	s0 =	sadd.s32 @!p0 $0x100000, s0;
	[bflag:$0x2] =	sbarrier.arrive $0xFFFF  }
0x71: {  	[sflag:s0] =	ssyncadd.tile.s32 @!p0 $0x1;
	_ =	shalt  }
.Lfunc_end2:
_tile_overlayer_lowered:
.L_overlay_start_2:
0x72: {  	(tag) =	ssettag $0x2  }
0x73: {  	s0 =	rddreg [dreg:$0x0];
	s2 =	stileid.u32  }
0x74: {  	s1 =	rddreg [dreg:$0x1];
	p0 =	sne.s32 s2, $0x0  }
0x75: {  	s3 =	rddreg [dreg:$0x2];
	[bflag:$0x3] =	sbarrier.arrive $0xFFFF;
	s2 =	simm.s32 @!p0 $0x1C06  }
0x76: {  	[timem:s3], [sflag:s2] =	dma.local @!p0 [hbm:s0], s1  }
0x77: {  	s0 =	simm.s32 @!p0 $0x6  }
0x78: {  	_ =	swait.ge @!p0 [sflag:s0], s1  }
0x79: {  	s1 =	ssub.s32 @!p0 $0x0, s1;
	[sflag:s0] =	ssyncset.done @!p0 $0x0  }
0x7a: {  	[sflag:s0] =	ssyncadd.s32 @!p0 s1  }
0x7b: {  	[bflag:$0x3] =	sbarrier.arrive $0xFFFF  }
0x7c: {  	_ =	shalt  }

</sc_bundles>
